<compile_context>
chip_gen: v7x
topology: tpu7x:2x2x1
jax: 0.10.2.dev20260603
libtpu: 0.0.44.dev20260713+nightly
codegen_flags: <defaults>
</compile_context>

<pallas_src>
import functools

import jax
import jax.numpy as jnp
from jax import lax
from jax.experimental import pallas as pl
from jax.experimental.pallas import tpu as pltpu
from jax.experimental.pallas import tpu_sc as plsc

_B, _N1, _NP, _NS = 4, 8192, 512, 16
_IN_P, _OUT_P, _MID, _SHARE = 64, 128, 64, 8
_R2 = 0.2 ** 2
_EPS = 1e-5

_SBLK = 64
_CB = 128
_NBQ = _NP // _SBLK
_NCB = _NP // _CB


def _fps_body(xyz_ref, fps_ref, nxyz_ref):
    XYZ = [[xyz_ref[b, c] for c in range(3)] for b in range(_B)]
    I = (lax.broadcasted_iota(jnp.int32, (64, 128), 0) * 128
         + lax.broadcasted_iota(jnp.int32, (64, 128), 1))
    lane = lax.broadcasted_iota(jnp.int32, (1, 128), 1)

    def step(k, carry):
        Ds, fs = carry
        newDs, newfs = [], []
        for b in range(_B):
            D, f = Ds[b], fs[b]
            X, Y, Z = XYZ[b]
            row = f // 128
            col = f - row * 128
            sel = lane == col
            xr = xyz_ref[b, 0, pl.ds(row, 1), :]
            yr = xyz_ref[b, 1, pl.ds(row, 1), :]
            zr = xyz_ref[b, 2, pl.ds(row, 1), :]
            cx = jnp.sum(jnp.where(sel, xr, 0.0))
            cy = jnp.sum(jnp.where(sel, yr, 0.0))
            cz = jnp.sum(jnp.where(sel, zr, 0.0))
            dist = (X - cx) ** 2 + (Y - cy) ** 2 + (Z - cz) ** 2
            D = jnp.minimum(D, dist)
            m = jnp.max(D)
            f_next = jnp.min(jnp.where(D == m, I, jnp.int32(_N1)))
            fps_ref[pl.ds(b * _NP + k, 1), :] = jnp.full((1, 1), f, jnp.int32)
            nxyz_ref[pl.ds(b * _NP + k, 1), 0:1] = jnp.full((1, 1), cx)
            nxyz_ref[pl.ds(b * _NP + k, 1), 1:2] = jnp.full((1, 1), cy)
            nxyz_ref[pl.ds(b * _NP + k, 1), 2:3] = jnp.full((1, 1), cz)
            newDs.append(D)
            newfs.append(f_next)
        return tuple(newDs), tuple(newfs)

    D0 = jnp.full((64, 128), 1e10, jnp.float32)
    lax.fori_loop(0, _NP, step,
                  ((D0,) * _B, (jnp.int32(0),) * _B))


def _run_fps(xyzr):
    return pl.pallas_call(
        _fps_body,
        in_specs=[pl.BlockSpec((_B, 3, 64, 128), lambda: (0, 0, 0, 0))],
        out_specs=[
            pl.BlockSpec((_B * _NP, 1), lambda: (0, 0)),
            pl.BlockSpec((_B * _NP, 3), lambda: (0, 0)),
        ],
        out_shape=[
            jax.ShapeDtypeStruct((_B * _NP, 1), jnp.int32),
            jax.ShapeDtypeStruct((_B * _NP, 3), jnp.float32),
        ],
    )(xyzr)


def _bq_body(xyzt_ref, nxyz_ref, idx_ref):
    b = pl.program_id(0)
    px = xyzt_ref[0, 0:1, :]
    py = xyzt_ref[0, 1:2, :]
    pz = xyzt_ref[0, 2:3, :]
    pn = px * px + py * py + pz * pz
    nx = nxyz_ref[:, 0:1]
    ny = nxyz_ref[:, 1:2]
    nz = nxyz_ref[:, 2:3]
    cn = nx * nx + ny * ny + nz * nz
    dot = jnp.dot(nxyz_ref[...], xyzt_ref[0],
                  preferred_element_type=jnp.float32)
    sqd = cn + pn - 2.0 * dot
    iotaL = lax.broadcasted_iota(jnp.int32, (_SBLK, _N1), 1)
    cand0 = jnp.where(sqd <= _R2, iotaL, jnp.int32(_N1))
    slot = lax.broadcasted_iota(jnp.int32, (_SBLK, _NS), 1)

    def step(t, carry):
        cand, acc = carry
        m = jnp.min(cand, axis=1, keepdims=True)
        acc = jnp.where(slot == t, m, acc)
        cand = jnp.where(cand == m, jnp.int32(_N1), cand)
        return cand, acc

    _, acc = lax.fori_loop(
        0, _NS, step, (cand0, jnp.zeros((_SBLK, _NS), jnp.int32)))
    first = acc[:, 0:1]
    acc = jnp.where(acc == _N1, first, acc)
    idx_ref[...] = acc + b * _N1


def _run_bq(xyzt, nxyz):
    return pl.pallas_call(
        _bq_body,
        grid=(_B, _NBQ),
        in_specs=[
            pl.BlockSpec((1, 3, _N1), lambda b, c: (b, 0, 0)),
            pl.BlockSpec((_SBLK, 3), lambda b, c: (b * _NBQ + c, 0)),
        ],
        out_specs=pl.BlockSpec((_SBLK, _NS), lambda b, c: (b * _NBQ + c, 0)),
        out_shape=jax.ShapeDtypeStruct((_B * _NP, _NS), jnp.int32),
        compiler_params=pltpu.CompilerParams(
            dimension_semantics=("parallel", "parallel")),
    )(xyzt, nxyz)


def _sc_gather(table, idx):
    n, D = idx.shape[0], table.shape[1]
    info = plsc.get_sparse_core_info()
    nw = info.num_cores * info.num_subcores
    b_per_w = n // nw
    nchunk = 2
    chunk = b_per_w // nchunk
    mesh = plsc.VectorSubcoreMesh(core_axis_name="c", subcore_axis_name="s")

    @functools.partial(
        pl.kernel, mesh=mesh,
        out_type=jax.ShapeDtypeStruct((n, D), jnp.float32),
        scratch_types=[
            pltpu.VMEM((chunk,), jnp.int32),
            pltpu.VMEM((chunk, D), jnp.float32),
            pltpu.SemaphoreType.DMA,
        ],
    )
    def k(table_hbm, idx_hbm, out_hbm, idx_v, rows_v, sem):
        wid = lax.axis_index("s") * info.num_cores + lax.axis_index("c")
        for j in range(nchunk):
            base = wid * b_per_w + j * chunk
            pltpu.sync_copy(idx_hbm.at[pl.ds(base, chunk)], idx_v)
            pltpu.async_copy(table_hbm.at[idx_v], rows_v, sem).wait()
            pltpu.sync_copy(rows_v, out_hbm.at[pl.ds(base, chunk)])

    return k(table, idx)


def _ln(h, g, b):
    m = jnp.mean(h, axis=-1, keepdims=True)
    v = jnp.mean((h - m) ** 2, axis=-1, keepdims=True)
    return (h - m) / jnp.sqrt(v + _EPS) * g + b


def _dense_body(g_ref, nrep_ref, xT_ref, xyzT_ref,
                Wq_ref, bq_ref, Wk_ref, bk_ref, Wv_ref, bv_ref,
                pA_ref, pAb_ref, plg_ref, plb_ref, pB_ref, pBb_ref,
                qA_ref, qAb_ref, qlg_ref, qlb_ref, qB_ref, qBb_ref,
                l1g_ref, l1b_ref, wA_ref, wAb_ref,
                l2g_ref, l2b_ref, wB_ref, wBb_ref,
                wlog_ref, xv_ref):
    g = g_ref[0]
    gx1 = g[:, 0:_IN_P]
    gxyz = g[:, _IN_P:_IN_P + 3]
    grel = gxyz - nrep_ref[0]

    x_k = jnp.dot(gx1, Wk_ref[...], 
                  preferred_element_type=jnp.float32) + bk_ref[...]
    x_v = jnp.dot(gx1, Wv_ref[...], 
                  preferred_element_type=jnp.float32) + bv_ref[...]

    h = jnp.dot(grel, pA_ref[...], 
                preferred_element_type=jnp.float32) + pAb_ref[...]
    h = jax.nn.relu(_ln(h, plg_ref[...], plb_ref[...]))
    p_r = jnp.dot(h, pB_ref[...], 
                  preferred_element_type=jnp.float32) + pBb_ref[...]
    pr_red = p_r[:, 0:_MID] + p_r[:, _MID:_OUT_P]

    a = xyzT_ref[0]
    h1 = jnp.dot(a, qA_ref[...], 
                 preferred_element_type=jnp.float32) + qAb_ref[...]
    h1 = jax.nn.relu(_ln(h1, qlg_ref[...], qlb_ref[...]))
    p_r_1 = jnp.dot(h1, qB_ref[...], 
                    preferred_element_type=jnp.float32) + qBb_ref[...]
    x_q = jnp.dot(xT_ref[0], Wq_ref[...], 
                  preferred_element_type=jnp.float32) + bq_ref[...]
    q = x_q + p_r_1
    q_rep = jnp.broadcast_to(q[:, None, :], (_CB, _NS, _MID)).reshape(
        _CB * _NS, _MID)

    r_qk = x_k - q_rep + pr_red
    hw = jax.nn.relu(_ln(r_qk, l1g_ref[...], l1b_ref[...]))
    hw = jnp.dot(hw, wA_ref[...], 
                 preferred_element_type=jnp.float32) + wAb_ref[...]
    hw = jax.nn.relu(_ln(hw, l2g_ref[...], l2b_ref[...]))
    wlog = jnp.dot(hw, wB_ref[...], 
                   preferred_element_type=jnp.float32) + wBb_ref[...]

    wlog_ref[0] = wlog
    xv_ref[0] = x_v + p_r


def _run_dense(g, nrep, xT, xyzT, weights):
    nblk = _B * _NCB
    wspecs = [pl.BlockSpec(w.shape, functools.partial(
        lambda nd, b, c: (0,) * nd, w.ndim)) for w in weights]
    return pl.pallas_call(
        _dense_body,
        grid=(_B, _NCB),
        in_specs=[
            pl.BlockSpec((1, _CB * _NS, 128),
                         lambda b, c: (b * _NCB + c, 0, 0)),
            pl.BlockSpec((1, _CB * _NS, 3),
                         lambda b, c: (b * _NCB + c, 0, 0)),
            pl.BlockSpec((1, _CB, _IN_P), lambda b, c: (b * _NCB + c, 0, 0)),
            pl.BlockSpec((1, _CB, 3), lambda b, c: (b * _NCB + c, 0, 0)),
        ] + wspecs,
        out_specs=[
            pl.BlockSpec((1, _CB * _NS, _NS),
                         lambda b, c: (b * _NCB + c, 0, 0)),
            pl.BlockSpec((1, _CB * _NS, _OUT_P),
                         lambda b, c: (b * _NCB + c, 0, 0)),
        ],
        out_shape=[
            jax.ShapeDtypeStruct((nblk, _CB * _NS, _NS), jnp.float32),
            jax.ShapeDtypeStruct((nblk, _CB * _NS, _OUT_P), jnp.float32),
        ],
        compiler_params=pltpu.CompilerParams(
            dimension_semantics=("parallel", "parallel")),
    )(g, nrep, xT, xyzT, *weights)


def _agg_body(wlog_ref, xv_ref, out_ref):
    wlog = wlog_ref[0]
    mx = jnp.max(wlog, axis=0, keepdims=True)
    e = jnp.exp(wlog - mx)
    w = e / jnp.sum(e, axis=0, keepdims=True)
    acc = jnp.zeros((_NP, _OUT_P), jnp.float32)
    for t in range(_NS):
        wt = w[:, t * _NS:(t + 1) * _NS]
        wt8 = jnp.concatenate([wt] * _SHARE, axis=1)
        acc = acc + xv_ref[0, :, t, :] * wt8
    out_ref[0] = acc


def _run_agg(wlog, xv):
    return pl.pallas_call(
        _agg_body,
        grid=(_B,),
        in_specs=[
            pl.BlockSpec((1, _NP, _NS * _NS), lambda b: (b, 0, 0)),
            pl.BlockSpec((1, _NP, _NS, _OUT_P), lambda b: (b, 0, 0, 0)),
        ],
        out_specs=pl.BlockSpec((1, _NP, _OUT_P), lambda b: (b, 0, 0)),
        out_shape=jax.ShapeDtypeStruct((_B, _NP, _OUT_P), jnp.float32),
        compiler_params=pltpu.CompilerParams(
            dimension_semantics=("parallel",)),
    )(wlog, xv)


def kernel(x, xyz, x1, xyz1, Wq, bq, Wk, bk, Wv, bv, pA_W, pA_b, p_ln_g,
           p_ln_b, pB_W, pB_b, qA_W, qA_b, q_ln_g, q_ln_b, qB_W, qB_b,
           w_ln1_g, w_ln1_b, wA_W, wA_b, w_ln2_g, w_ln2_b, wB_W, wB_b):
    xyzt = jnp.transpose(xyz1, (0, 2, 1))
    xyzr = xyzt.reshape(_B, 3, 64, 128)
    fps_flat, nxyz_flat = _run_fps(xyzr)
    new_xyz = nxyz_flat.reshape(_B, _NP, 3)

    idx_g = _run_bq(xyzt, nxyz_flat)

    table = jnp.concatenate(
        [x1, xyz1, jnp.zeros((_B, _N1, 61), jnp.float32)],
        axis=-1).reshape(_B * _N1, 128)
    g = _sc_gather(table, idx_g.reshape(-1))

    nrep = jnp.broadcast_to(
        new_xyz[:, :, None, :], (_B, _NP, _NS, 3))
    g4 = g.reshape(_B * _NCB, _CB * _NS, 128)
    nrep4 = nrep.reshape(_B * _NCB, _CB * _NS, 3)
    xT = jnp.transpose(x, (0, 2, 1)).reshape(_B * _NCB, _CB, _IN_P)
    xyzT = jnp.transpose(xyz, (0, 2, 1)).reshape(_B * _NCB, _CB, 3)

    weights = [
        Wq, bq.reshape(1, -1), Wk, bk.reshape(1, -1), Wv, bv.reshape(1, -1),
        pA_W, pA_b.reshape(1, -1), p_ln_g.reshape(1, -1),
        p_ln_b.reshape(1, -1), pB_W, pB_b.reshape(1, -1),
        qA_W, qA_b.reshape(1, -1), q_ln_g.reshape(1, -1),
        q_ln_b.reshape(1, -1), qB_W, qB_b.reshape(1, -1),
        w_ln1_g.reshape(1, -1), w_ln1_b.reshape(1, -1), wA_W,
        wA_b.reshape(1, -1), w_ln2_g.reshape(1, -1), w_ln2_b.reshape(1, -1),
        wB_W, wB_b.reshape(1, -1),
    ]
    wlog, xv = _run_dense(g4, nrep4, xT, xyzT, weights)

    wlog2 = wlog.reshape(_B, _NP, _NS * _NS)
    xv4 = xv.reshape(_B, _NP, _NS, _OUT_P)
    out = _run_agg(wlog2, xv4)
    return out, new_xyz

# --- scband reference (transcript-rebuilt; emitter-appended) ---
"""Pipeline reference for scband-point-transformer-layer-46351287059060 (READ-ONLY COPY).

The authoritative reference and input builder live on the scoring server;
editing this copy changes nothing except your own understanding.
"""

import jax, jax.numpy as jnp
import numpy as np

B, N1, NP, NS = 4, 8192, 512, 16
IN_P, OUT_P, MID, SHARE = 64, 128, 64, 8
RADIUS = 0.2


def layer_norm(x, g, b, eps=1e-5):
    m = jnp.mean(x, axis=-1, keepdims=True)
    v = jnp.mean((x - m) ** 2, axis=-1, keepdims=True)
    return (x - m) / jnp.sqrt(v + eps) * g + b


def index_points(points, idx):
    return jax.vmap(lambda p, i: p[i])(points, idx)


def farthest_point_sample(xyz, npoint):
    Bb, N, _ = xyz.shape

    def step(carry, _):
        distance, farthest = carry
        centroid = xyz[jnp.arange(Bb), farthest][:, None, :]
        dist = jnp.sum((xyz - centroid) ** 2, axis=-1)
        distance = jnp.minimum(distance, dist)
        new_far = jnp.argmax(distance, axis=-1).astype(jnp.int32)
        return (distance, new_far), farthest

    init = (jnp.full((Bb, N), 1e10, dtype=xyz.dtype), jnp.zeros((Bb,), dtype=jnp.int32))
    _, cents = jax.lax.scan(step, init, None, length=npoint)
    return jnp.transpose(cents)


def query_ball_point(radius, nsample, xyz, new_xyz):
    Bb, N, _ = xyz.shape
    S = new_xyz.shape[1]
    sqrdists = (jnp.sum(new_xyz ** 2, -1)[:, :, None] + jnp.sum(xyz ** 2, -1)[:, None, :]
                - 2.0 * jnp.einsum('bsd,bnd->bsn', new_xyz, xyz))
    group_idx = jnp.broadcast_to(jnp.arange(N, dtype=jnp.int32), (Bb, S, N))
    group_idx = jnp.where(sqrdists > radius ** 2, N, group_idx)
    group_idx = jnp.sort(group_idx, axis=-1)[:, :, :nsample]
    group_first = jnp.broadcast_to(group_idx[:, :, :1], group_idx.shape)
    group_idx = jnp.where(group_idx == N, group_first, group_idx)
    return group_idx


def _forward(x, xyz, x1, xyz1, Wq, bq, Wk, bk, Wv, bv, pA_W, pA_b, p_ln_g, p_ln_b, pB_W, pB_b,
             qA_W, qA_b, q_ln_g, q_ln_b, qB_W, qB_b, w_ln1_g, w_ln1_b, wA_W, wA_b,
             w_ln2_g, w_ln2_b, wB_W, wB_b, fps_idx=None, idx=None):
    x_q = jnp.einsum('bcn,cm->bnm', x, Wq) + bq
    x_k_feat = x1 @ Wk + bk
    x_v = x1 @ Wv + bv
    if fps_idx is None:
        fps_idx = farthest_point_sample(xyz1, NP)
    new_xyz = index_points(xyz1, fps_idx)
    if idx is None:
        idx = query_ball_point(RADIUS, NS, xyz1, new_xyz)
    grouped_xyz = index_points(xyz1, idx) - new_xyz[:, :, None, :]
    grouped_points = index_points(x_k_feat, idx)
    x_v = index_points(x_v, idx)
    p_r = grouped_xyz
    x_k = grouped_points
    h = jax.nn.relu(layer_norm(p_r @ pA_W + pA_b, p_ln_g, p_ln_b))
    p_r = h @ pB_W + pB_b
    h1 = jax.nn.relu(layer_norm(jnp.einsum('bcn,cd->bnd', xyz, qA_W) + qA_b, q_ln_g, q_ln_b))
    p_r_1 = h1 @ qB_W + qB_b
    Bb, n, ns, out_p = p_r.shape
    pr_red = jnp.sum(p_r.reshape(Bb, n, ns, out_p // MID, MID), axis=3)
    r_qk = x_k - (x_q + p_r_1)[:, :, None, :] + pr_red
    hw = jax.nn.relu(layer_norm(r_qk, w_ln1_g, w_ln1_b))
    hw = hw @ wA_W + wA_b
    hw = jax.nn.relu(layer_norm(hw, w_ln2_g, w_ln2_b))
    w = hw @ wB_W + wB_b
    w = jax.nn.softmax(w, axis=1)
    xv_pr = (x_v + p_r).reshape(Bb, n, ns, SHARE, out_p // SHARE)
    out = jnp.einsum('bntsi,bnti->bnsi', xv_pr, w)
    out = out.reshape(Bb, n, out_p)
    return out, new_xyz


def setup_inputs(seed: int = 0):
    key = jax.random.key(seed)
    ks = jax.random.split(key, 16)
    s = 0.05
    inp = {}
    inp['x'] = jax.random.normal(ks[0], (B, IN_P, NP), dtype=jnp.float32)
    inp['xyz'] = jax.random.uniform(ks[1], (B, 3, NP), dtype=jnp.float32)
    inp['x1'] = jax.random.normal(ks[2], (B, N1, IN_P), dtype=jnp.float32)
    inp['xyz1'] = jax.random.uniform(ks[3], (B, N1, 3), dtype=jnp.float32)
    inp['Wq'] = jax.random.normal(ks[4], (IN_P, MID), dtype=jnp.float32) * s
    inp['bq'] = jnp.zeros((MID,), dtype=jnp.float32)
    inp['Wk'] = jax.random.normal(ks[5], (IN_P, MID), dtype=jnp.float32) * s
    inp['bk'] = jnp.zeros((MID,), dtype=jnp.float32)
    inp['Wv'] = jax.random.normal(ks[6], (IN_P, OUT_P), dtype=jnp.float32) * s
    inp['bv'] = jnp.zeros((OUT_P,), dtype=jnp.float32)
    inp['pA_W'] = jax.random.normal(ks[7], (3, 3), dtype=jnp.float32) * 0.3
    inp['pA_b'] = jnp.zeros((3,), dtype=jnp.float32)
    inp['p_ln_g'] = jnp.ones((3,), dtype=jnp.float32)
    inp['p_ln_b'] = jnp.zeros((3,), dtype=jnp.float32)
    inp['pB_W'] = jax.random.normal(ks[8], (3, OUT_P), dtype=jnp.float32) * 0.3
    inp['pB_b'] = jnp.zeros((OUT_P,), dtype=jnp.float32)
    inp['qA_W'] = jax.random.normal(ks[9], (3, 3), dtype=jnp.float32) * 0.3
    inp['qA_b'] = jnp.zeros((3,), dtype=jnp.float32)
    inp['q_ln_g'] = jnp.ones((3,), dtype=jnp.float32)
    inp['q_ln_b'] = jnp.zeros((3,), dtype=jnp.float32)
    inp['qB_W'] = jax.random.normal(ks[10], (3, MID), dtype=jnp.float32) * 0.3
    inp['qB_b'] = jnp.zeros((MID,), dtype=jnp.float32)
    inp['w_ln1_g'] = jnp.ones((MID,), dtype=jnp.float32)
    inp['w_ln1_b'] = jnp.zeros((MID,), dtype=jnp.float32)
    inp['wA_W'] = jax.random.normal(ks[11], (MID, OUT_P // SHARE), dtype=jnp.float32) * s
    inp['wA_b'] = jnp.zeros((OUT_P // SHARE,), dtype=jnp.float32)
    inp['w_ln2_g'] = jnp.ones((OUT_P // SHARE,), dtype=jnp.float32)
    inp['w_ln2_b'] = jnp.zeros((OUT_P // SHARE,), dtype=jnp.float32)
    inp['wB_W'] = jax.random.normal(ks[12], (OUT_P // SHARE, OUT_P // SHARE), dtype=jnp.float32) * s
    inp['wB_b'] = jnp.zeros((OUT_P // SHARE,), dtype=jnp.float32)
    return inp


def reference(x, xyz, x1, xyz1, Wq, bq, Wk, bk, Wv, bv, pA_W, pA_b, p_ln_g, p_ln_b, pB_W, pB_b,
              qA_W, qA_b, q_ln_g, q_ln_b, qB_W, qB_b, w_ln1_g, w_ln1_b, wA_W, wA_b,
              w_ln2_g, w_ln2_b, wB_W, wB_b):
    return _forward(x, xyz, x1, xyz1, Wq, bq, Wk, bk, Wv, bv, pA_W, pA_b, p_ln_g, p_ln_b,
                    pB_W, pB_b, qA_W, qA_b, q_ln_g, q_ln_b, qB_W, qB_b, w_ln1_g, w_ln1_b,
                    wA_W, wA_b, w_ln2_g, w_ln2_b, wB_W, wB_b)

if __name__ == "__main__":
    import jax
    _d = setup_inputs()
    print(jax.jit(kernel)(*tuple(_d.values())))

</pallas_src>

<mosaic_0001>
#map = affine_map<(d0, d1) -> (0, 0)>
#map1 = affine_map<(d0, d1) -> (0)>
module attributes {stable_mosaic.version = 14 : i64} {
  func.func @k(%arg0: i32, %arg1: i32, %arg2: memref<32768x128xf32, #tpu.memory_space<hbm>>, %arg3: memref<32768xi32, #tpu.memory_space<hbm>>, %arg4: memref<32768x128xf32, #tpu.memory_space<hbm>>, %arg5: memref<512xi32, #tpu.memory_space<vmem>>, %arg6: memref<512x128xf32, #tpu.memory_space<vmem>>, %arg7: memref<!tpu.dma_semaphore, #tpu.memory_space<semaphore_mem>>) attributes {dimension_semantics = [#tpu.dimension_semantics<core_parallel>, #tpu.dimension_semantics<subcore_parallel>], iteration_bounds = array<i64: 2, 16>, scalar_prefetch = 0 : i64, scratch_operands = 3 : i64, tpu.core_type = #tpu.core_type<sc_vector_subcore>, window_params = [{transform_indices = #map}, {transform_indices = #map1}, {transform_indices = #map}]} {
    %mul3A = arith.constant 2 : i32
    %mul3A_0 = arith.muli %arg1, %mul3A : i32
    %add3A = arith.addi %mul3A_0, %arg0 : i32
    %mul3A_1 = arith.constant 1024 : i32
    %mul3A_2 = arith.muli %add3A, %mul3A_1 : i32
    %add3A_3 = arith.constant 0 : i32
    %add3A_4 = arith.addi %mul3A_2, %add3A_3 : i32
    "tpu.region"() ({
      %run_scoped3A = tpu.sem_alloc : memref<!tpu.dma_semaphore, #tpu.memory_space<semaphore_mem>>
      %dma_start3A_19 = tpu.memref_slice %arg3[%add3A_4] : memref<32768xi32, #tpu.memory_space<hbm>> -> memref<512xi32, #tpu.memory_space<hbm>>
      %dma_start3A_20 = tpu.memref_slice %arg3[%add3A_4] : memref<32768xi32, #tpu.memory_space<hbm>> -> memref<512xi32, #tpu.memory_space<hbm>>
      tpu.enqueue_dma source(%dma_start3A_20 : memref<512xi32, #tpu.memory_space<hbm>>) target(%arg5 : memref<512xi32, #tpu.memory_space<vmem>>) target_semaphore(%run_scoped3A : memref<!tpu.dma_semaphore, #tpu.memory_space<semaphore_mem>>)
      %dma_wait3A_21 = tpu.memref_slice %arg3[%add3A_4] : memref<32768xi32, #tpu.memory_space<hbm>> -> memref<512xi32, #tpu.memory_space<hbm>>
      %dma_wait3A_22 = tpu.memref_slice %arg3[%add3A_4] : memref<32768xi32, #tpu.memory_space<hbm>> -> memref<512xi32, #tpu.memory_space<hbm>>
      tpu.wait_dma2 semaphore(%run_scoped3A : memref<!tpu.dma_semaphore, #tpu.memory_space<semaphore_mem>>) src(%dma_wait3A_22 : memref<512xi32, #tpu.memory_space<hbm>>) dst(%arg5 : memref<512xi32, #tpu.memory_space<vmem>>)
      tpu.yield
    }) : () -> ()
    %dma_start3A = arith.constant 0 : i32
    %dma_start3A_5 = arith.constant 0 : i32
    %dma_start3A_6 = tpu.memref_slice %arg2[%dma_start3A, %dma_start3A_5] : memref<32768x128xf32, #tpu.memory_space<hbm>> -> memref<32768x128xf32, #tpu.memory_space<hbm>>
    tpu.enqueue_indirect_dma source(%dma_start3A_6 : memref<32768x128xf32, #tpu.memory_space<hbm>>) target(%arg6 : memref<512x128xf32, #tpu.memory_space<vmem>>) offsets(%arg5 : memref<512xi32, #tpu.memory_space<vmem>>) semaphore(%arg7 : memref<!tpu.dma_semaphore, #tpu.memory_space<semaphore_mem>>)
    %dma_wait3A = arith.constant 0 : i32
    %dma_wait3A_7 = arith.constant 0 : i32
    %dma_wait3A_8 = tpu.memref_slice %arg2[%dma_wait3A, %dma_wait3A_7] : memref<32768x128xf32, #tpu.memory_space<hbm>> -> memref<32768x128xf32, #tpu.memory_space<hbm>>
    tpu.wait_indirect_dma semaphore(%arg7 : memref<!tpu.dma_semaphore, #tpu.memory_space<semaphore_mem>>) src(%dma_wait3A_8 : memref<32768x128xf32, #tpu.memory_space<hbm>>) dst(%arg6 : memref<512x128xf32, #tpu.memory_space<vmem>>)
    "tpu.region"() ({
      %run_scoped3A = tpu.sem_alloc : memref<!tpu.dma_semaphore, #tpu.memory_space<semaphore_mem>>
      %dma_start3A_19 = arith.constant 0 : i32
      %dma_start3A_20 = tpu.memref_slice %arg4[%add3A_4, %dma_start3A_19] : memref<32768x128xf32, #tpu.memory_space<hbm>> -> memref<512x128xf32, #tpu.memory_space<hbm>>
      %dma_start3A_21 = arith.constant 0 : i32
      %dma_start3A_22 = tpu.memref_slice %arg4[%add3A_4, %dma_start3A_21] : memref<32768x128xf32, #tpu.memory_space<hbm>> -> memref<512x128xf32, #tpu.memory_space<hbm>>
      tpu.enqueue_dma source(%arg6 : memref<512x128xf32, #tpu.memory_space<vmem>>) target(%dma_start3A_22 : memref<512x128xf32, #tpu.memory_space<hbm>>) target_semaphore(%run_scoped3A : memref<!tpu.dma_semaphore, #tpu.memory_space<semaphore_mem>>)
      %dma_wait3A_23 = arith.constant 0 : i32
      %dma_wait3A_24 = tpu.memref_slice %arg4[%add3A_4, %dma_wait3A_23] : memref<32768x128xf32, #tpu.memory_space<hbm>> -> memref<512x128xf32, #tpu.memory_space<hbm>>
      %dma_wait3A_25 = arith.constant 0 : i32
      %dma_wait3A_26 = tpu.memref_slice %arg4[%add3A_4, %dma_wait3A_25] : memref<32768x128xf32, #tpu.memory_space<hbm>> -> memref<512x128xf32, #tpu.memory_space<hbm>>
      tpu.wait_dma2 semaphore(%run_scoped3A : memref<!tpu.dma_semaphore, #tpu.memory_space<semaphore_mem>>) src(%arg6 : memref<512x128xf32, #tpu.memory_space<vmem>>) dst(%dma_wait3A_26 : memref<512x128xf32, #tpu.memory_space<hbm>>)
      tpu.yield
    }) : () -> ()
    %mul3A_9 = arith.constant 1024 : i32
    %mul3A_10 = arith.muli %add3A, %mul3A_9 : i32
    %add3A_11 = arith.constant 512 : i32
    %add3A_12 = arith.addi %mul3A_10, %add3A_11 : i32
    "tpu.region"() ({
      %run_scoped3A = tpu.sem_alloc : memref<!tpu.dma_semaphore, #tpu.memory_space<semaphore_mem>>
      %dma_start3A_19 = tpu.memref_slice %arg3[%add3A_12] : memref<32768xi32, #tpu.memory_space<hbm>> -> memref<512xi32, #tpu.memory_space<hbm>>
      %dma_start3A_20 = tpu.memref_slice %arg3[%add3A_12] : memref<32768xi32, #tpu.memory_space<hbm>> -> memref<512xi32, #tpu.memory_space<hbm>>
      tpu.enqueue_dma source(%dma_start3A_20 : memref<512xi32, #tpu.memory_space<hbm>>) target(%arg5 : memref<512xi32, #tpu.memory_space<vmem>>) target_semaphore(%run_scoped3A : memref<!tpu.dma_semaphore, #tpu.memory_space<semaphore_mem>>)
      %dma_wait3A_21 = tpu.memref_slice %arg3[%add3A_12] : memref<32768xi32, #tpu.memory_space<hbm>> -> memref<512xi32, #tpu.memory_space<hbm>>
      %dma_wait3A_22 = tpu.memref_slice %arg3[%add3A_12] : memref<32768xi32, #tpu.memory_space<hbm>> -> memref<512xi32, #tpu.memory_space<hbm>>
      tpu.wait_dma2 semaphore(%run_scoped3A : memref<!tpu.dma_semaphore, #tpu.memory_space<semaphore_mem>>) src(%dma_wait3A_22 : memref<512xi32, #tpu.memory_space<hbm>>) dst(%arg5 : memref<512xi32, #tpu.memory_space<vmem>>)
      tpu.yield
    }) : () -> ()
    %dma_start3A_13 = arith.constant 0 : i32
    %dma_start3A_14 = arith.constant 0 : i32
    %dma_start3A_15 = tpu.memref_slice %arg2[%dma_start3A_13, %dma_start3A_14] : memref<32768x128xf32, #tpu.memory_space<hbm>> -> memref<32768x128xf32, #tpu.memory_space<hbm>>
    tpu.enqueue_indirect_dma source(%dma_start3A_15 : memref<32768x128xf32, #tpu.memory_space<hbm>>) target(%arg6 : memref<512x128xf32, #tpu.memory_space<vmem>>) offsets(%arg5 : memref<512xi32, #tpu.memory_space<vmem>>) semaphore(%arg7 : memref<!tpu.dma_semaphore, #tpu.memory_space<semaphore_mem>>)
    %dma_wait3A_16 = arith.constant 0 : i32
    %dma_wait3A_17 = arith.constant 0 : i32
    %dma_wait3A_18 = tpu.memref_slice %arg2[%dma_wait3A_16, %dma_wait3A_17] : memref<32768x128xf32, #tpu.memory_space<hbm>> -> memref<32768x128xf32, #tpu.memory_space<hbm>>
    tpu.wait_indirect_dma semaphore(%arg7 : memref<!tpu.dma_semaphore, #tpu.memory_space<semaphore_mem>>) src(%dma_wait3A_18 : memref<32768x128xf32, #tpu.memory_space<hbm>>) dst(%arg6 : memref<512x128xf32, #tpu.memory_space<vmem>>)
    "tpu.region"() ({
      %run_scoped3A = tpu.sem_alloc : memref<!tpu.dma_semaphore, #tpu.memory_space<semaphore_mem>>
      %dma_start3A_19 = arith.constant 0 : i32
      %dma_start3A_20 = tpu.memref_slice %arg4[%add3A_12, %dma_start3A_19] : memref<32768x128xf32, #tpu.memory_space<hbm>> -> memref<512x128xf32, #tpu.memory_space<hbm>>
      %dma_start3A_21 = arith.constant 0 : i32
      %dma_start3A_22 = tpu.memref_slice %arg4[%add3A_12, %dma_start3A_21] : memref<32768x128xf32, #tpu.memory_space<hbm>> -> memref<512x128xf32, #tpu.memory_space<hbm>>
      tpu.enqueue_dma source(%arg6 : memref<512x128xf32, #tpu.memory_space<vmem>>) target(%dma_start3A_22 : memref<512x128xf32, #tpu.memory_space<hbm>>) target_semaphore(%run_scoped3A : memref<!tpu.dma_semaphore, #tpu.memory_space<semaphore_mem>>)
      %dma_wait3A_23 = arith.constant 0 : i32
      %dma_wait3A_24 = tpu.memref_slice %arg4[%add3A_12, %dma_wait3A_23] : memref<32768x128xf32, #tpu.memory_space<hbm>> -> memref<512x128xf32, #tpu.memory_space<hbm>>
      %dma_wait3A_25 = arith.constant 0 : i32
      %dma_wait3A_26 = tpu.memref_slice %arg4[%add3A_12, %dma_wait3A_25] : memref<32768x128xf32, #tpu.memory_space<hbm>> -> memref<512x128xf32, #tpu.memory_space<hbm>>
      tpu.wait_dma2 semaphore(%run_scoped3A : memref<!tpu.dma_semaphore, #tpu.memory_space<semaphore_mem>>) src(%arg6 : memref<512x128xf32, #tpu.memory_space<vmem>>) dst(%dma_wait3A_26 : memref<512x128xf32, #tpu.memory_space<hbm>>)
      tpu.yield
    }) : () -> ()
    return
  }
}

module attributes {stable_mosaic.version = 14 : i64} {
  func.func @_fps_body(%arg0: memref<4x3x64x128xf32, #tpu.memory_space<vmem>>, %arg1: memref<2048x1xi32, #tpu.memory_space<vmem>>, %arg2: memref<2048x3xf32, #tpu.memory_space<vmem>>) attributes {dimension_semantics = [], scalar_prefetch = 0 : i64, scratch_operands = 0 : i64, tpu.core_type = #tpu.core_type<tc>} {
    %get3A = arith.constant 0 : index
    %get3A_0 = arith.constant 0 : index
    %get3A_1 = arith.constant 0 : index
    %get3A_2 = arith.constant 0 : index
    %get3A_3 = vector.load %arg0[%get3A, %get3A_0, %get3A_1, %get3A_2] : memref<4x3x64x128xf32, #tpu.memory_space<vmem>>, vector<1x1x64x128xf32>
    %get3A_4 = vector.shape_cast %get3A_3 : vector<1x1x64x128xf32> to vector<64x128xf32>
    %get3A_5 = arith.constant 0 : index
    %get3A_6 = arith.constant 1 : index
    %get3A_7 = arith.constant 0 : index
    %get3A_8 = arith.constant 0 : index
    %get3A_9 = vector.load %arg0[%get3A_5, %get3A_6, %get3A_7, %get3A_8] : memref<4x3x64x128xf32, #tpu.memory_space<vmem>>, vector<1x1x64x128xf32>
    %get3A_10 = vector.shape_cast %get3A_9 : vector<1x1x64x128xf32> to vector<64x128xf32>
    %get3A_11 = arith.constant 0 : index
    %get3A_12 = arith.constant 2 : index
    %get3A_13 = arith.constant 0 : index
    %get3A_14 = arith.constant 0 : index
    %get3A_15 = vector.load %arg0[%get3A_11, %get3A_12, %get3A_13, %get3A_14] : memref<4x3x64x128xf32, #tpu.memory_space<vmem>>, vector<1x1x64x128xf32>
    %get3A_16 = vector.shape_cast %get3A_15 : vector<1x1x64x128xf32> to vector<64x128xf32>
    %get3A_17 = arith.constant 1 : index
    %get3A_18 = arith.constant 0 : index
    %get3A_19 = arith.constant 0 : index
    %get3A_20 = arith.constant 0 : index
    %get3A_21 = vector.load %arg0[%get3A_17, %get3A_18, %get3A_19, %get3A_20] : memref<4x3x64x128xf32, #tpu.memory_space<vmem>>, vector<1x1x64x128xf32>
    %get3A_22 = vector.shape_cast %get3A_21 : vector<1x1x64x128xf32> to vector<64x128xf32>
    %get3A_23 = arith.constant 1 : index
    %get3A_24 = arith.constant 1 : index
    %get3A_25 = arith.constant 0 : index
    %get3A_26 = arith.constant 0 : index
    %get3A_27 = vector.load %arg0[%get3A_23, %get3A_24, %get3A_25, %get3A_26] : memref<4x3x64x128xf32, #tpu.memory_space<vmem>>, vector<1x1x64x128xf32>
    %get3A_28 = vector.shape_cast %get3A_27 : vector<1x1x64x128xf32> to vector<64x128xf32>
    %get3A_29 = arith.constant 1 : index
    %get3A_30 = arith.constant 2 : index
    %get3A_31 = arith.constant 0 : index
    %get3A_32 = arith.constant 0 : index
    %get3A_33 = vector.load %arg0[%get3A_29, %get3A_30, %get3A_31, %get3A_32] : memref<4x3x64x128xf32, #tpu.memory_space<vmem>>, vector<1x1x64x128xf32>
    %get3A_34 = vector.shape_cast %get3A_33 : vector<1x1x64x128xf32> to vector<64x128xf32>
    %get3A_35 = arith.constant 2 : index
    %get3A_36 = arith.constant 0 : index
    %get3A_37 = arith.constant 0 : index
    %get3A_38 = arith.constant 0 : index
    %get3A_39 = vector.load %arg0[%get3A_35, %get3A_36, %get3A_37, %get3A_38] : memref<4x3x64x128xf32, #tpu.memory_space<vmem>>, vector<1x1x64x128xf32>
    %get3A_40 = vector.shape_cast %get3A_39 : vector<1x1x64x128xf32> to vector<64x128xf32>
    %get3A_41 = arith.constant 2 : index
    %get3A_42 = arith.constant 1 : index
    %get3A_43 = arith.constant 0 : index
    %get3A_44 = arith.constant 0 : index
    %get3A_45 = vector.load %arg0[%get3A_41, %get3A_42, %get3A_43, %get3A_44] : memref<4x3x64x128xf32, #tpu.memory_space<vmem>>, vector<1x1x64x128xf32>
    %get3A_46 = vector.shape_cast %get3A_45 : vector<1x1x64x128xf32> to vector<64x128xf32>
    %get3A_47 = arith.constant 2 : index
    %get3A_48 = arith.constant 2 : index
    %get3A_49 = arith.constant 0 : index
    %get3A_50 = arith.constant 0 : index
    %get3A_51 = vector.load %arg0[%get3A_47, %get3A_48, %get3A_49, %get3A_50] : memref<4x3x64x128xf32, #tpu.memory_space<vmem>>, vector<1x1x64x128xf32>
    %get3A_52 = vector.shape_cast %get3A_51 : vector<1x1x64x128xf32> to vector<64x128xf32>
    %get3A_53 = arith.constant 3 : index
    %get3A_54 = arith.constant 0 : index
    %get3A_55 = arith.constant 0 : index
    %get3A_56 = arith.constant 0 : index
    %get3A_57 = vector.load %arg0[%get3A_53, %get3A_54, %get3A_55, %get3A_56] : memref<4x3x64x128xf32, #tpu.memory_space<vmem>>, vector<1x1x64x128xf32>
    %get3A_58 = vector.shape_cast %get3A_57 : vector<1x1x64x128xf32> to vector<64x128xf32>
    %get3A_59 = arith.constant 3 : index
    %get3A_60 = arith.constant 1 : index
    %get3A_61 = arith.constant 0 : index
    %get3A_62 = arith.constant 0 : index
    %get3A_63 = vector.load %arg0[%get3A_59, %get3A_60, %get3A_61, %get3A_62] : memref<4x3x64x128xf32, #tpu.memory_space<vmem>>, vector<1x1x64x128xf32>
    %get3A_64 = vector.shape_cast %get3A_63 : vector<1x1x64x128xf32> to vector<64x128xf32>
    %get3A_65 = arith.constant 3 : index
    %get3A_66 = arith.constant 2 : index
    %get3A_67 = arith.constant 0 : index
    %get3A_68 = arith.constant 0 : index
    %get3A_69 = vector.load %arg0[%get3A_65, %get3A_66, %get3A_67, %get3A_68] : memref<4x3x64x128xf32, #tpu.memory_space<vmem>>, vector<1x1x64x128xf32>
    %get3A_70 = vector.shape_cast %get3A_69 : vector<1x1x64x128xf32> to vector<64x128xf32>
    %iota3A = tpu.iota {dimensions = array<i32: 0>} : vector<64x128xi32>
    %mul3A = arith.constant 128 : i32
    %mul3A_71 = vector.broadcast %mul3A : i32 to vector<64x128xi32>
    %mul3A_72 = arith.muli %iota3A, %mul3A_71 : vector<64x128xi32>
    %iota3A_73 = tpu.iota {dimensions = array<i32: 1>} : vector<64x128xi32>
    %add3A = arith.addi %mul3A_72, %iota3A_73 : vector<64x128xi32>
    %iota3A_74 = tpu.iota {dimensions = array<i32: 1>} : vector<1x128xi32>
    %broadcast_in_dim3A = arith.constant 1.000000e+10 : f32
    %broadcast_in_dim3A_75 = vector.broadcast %broadcast_in_dim3A : f32 to vector<64x128xf32>
    %scan3A = arith.constant 0 : i32
    %scan3A_76 = arith.constant 0 : i32
    %scan3A_77 = arith.constant 0 : i32
    %scan3A_78 = arith.constant 0 : i32
    %scan3A_79 = arith.constant 0 : i32
    %scan3A_80 = arith.constant 512 : i32
    %scan3A_81 = arith.addi %scan3A_79, %scan3A_80 : i32
    %scan3A_82 = arith.constant 1 : i32
    %scan3A_83:8 = scf.for %scan3A_85 = %scan3A_79 to %scan3A_81 step %scan3A_82 iter_args(%scan3A_86 = %broadcast_in_dim3A_75, %scan3A_87 = %broadcast_in_dim3A_75, %scan3A_88 = %broadcast_in_dim3A_75, %scan3A_89 = %broadcast_in_dim3A_75, %scan3A_90 = %scan3A, %scan3A_91 = %scan3A_76, %scan3A_92 = %scan3A_77, %scan3A_93 = %scan3A_78) -> (vector<64x128xf32>, vector<64x128xf32>, vector<64x128xf32>, vector<64x128xf32>, i32, i32, i32, i32)  : i32 {
      %jit3A = arith.constant 128 : i32
      %div3A = arith.divsi %scan3A_90, %jit3A : i32
      %sign3A = arith.constant 0 : i32
      %sign3A_94 = arith.cmpi sgt, %scan3A_90, %sign3A : i32
      %sign3A_95 = arith.extui %sign3A_94 : i1 to i32
      %sign3A_96 = arith.constant 0 : i32
      %sign3A_97 = arith.cmpi slt, %scan3A_90, %sign3A_96 : i32
      %sign3A_98 = arith.extui %sign3A_97 : i1 to i32
      %sign3A_99 = arith.subi %sign3A_95, %sign3A_98 : i32
      %sign3A_100 = arith.constant 0 : i32
      %sign3A_101 = arith.cmpi sgt, %jit3A, %sign3A_100 : i32
      %sign3A_102 = arith.extui %sign3A_101 : i1 to i32
      %sign3A_103 = arith.constant 0 : i32
      %sign3A_104 = arith.cmpi slt, %jit3A, %sign3A_103 : i32
      %sign3A_105 = arith.extui %sign3A_104 : i1 to i32
      %sign3A_106 = arith.subi %sign3A_102, %sign3A_105 : i32
      %ne3A = arith.cmpi ne, %sign3A_99, %sign3A_106 : i32
      %rem3A = arith.remsi %scan3A_90, %jit3A : i32
      %ne3A_107 = arith.constant 0 : i32
      %ne3A_108 = arith.cmpi ne, %rem3A, %ne3A_107 : i32
      %and3A = arith.andi %ne3A, %ne3A_108 : i1
      %sub3A = arith.constant 1 : i32
      %sub3A_109 = arith.subi %div3A, %sub3A : i32
      %select_n3A = arith.select %and3A, %sub3A_109, %div3A : i32
      %mul3A_110 = arith.constant 128 : i32
      %mul3A_111 = arith.muli %select_n3A, %mul3A_110 : i32
      %sub3A_112 = arith.subi %scan3A_90, %mul3A_111 : i32
      %eq3A = vector.broadcast %sub3A_112 : i32 to vector<1x128xi32>
      %eq3A_113 = arith.cmpi eq, %iota3A_74, %eq3A : vector<1x128xi32>
      %get3A_114 = arith.constant 0 : index
      %get3A_115 = arith.constant 0 : index
      %get3A_116 = arith.index_cast %select_n3A : i32 to index
      %get3A_117 = arith.constant 0 : index
      %get3A_118 = vector.load %arg0[%get3A_114, %get3A_115, %get3A_116, %get3A_117] : memref<4x3x64x128xf32, #tpu.memory_space<vmem>>, vector<1x1x1x128xf32>
      %get3A_119 = vector.shape_cast %get3A_118 : vector<1x1x1x128xf32> to vector<1x128xf32>
      %get3A_120 = arith.constant 0 : index
      %get3A_121 = arith.constant 1 : index
      %get3A_122 = arith.index_cast %select_n3A : i32 to index
      %get3A_123 = arith.constant 0 : index
      %get3A_124 = vector.load %arg0[%get3A_120, %get3A_121, %get3A_122, %get3A_123] : memref<4x3x64x128xf32, #tpu.memory_space<vmem>>, vector<1x1x1x128xf32>
      %get3A_125 = vector.shape_cast %get3A_124 : vector<1x1x1x128xf32> to vector<1x128xf32>
      %get3A_126 = arith.constant 0 : index
      %get3A_127 = arith.constant 2 : index
      %get3A_128 = arith.index_cast %select_n3A : i32 to index
      %get3A_129 = arith.constant 0 : index
      %get3A_130 = vector.load %arg0[%get3A_126, %get3A_127, %get3A_128, %get3A_129] : memref<4x3x64x128xf32, #tpu.memory_space<vmem>>, vector<1x1x1x128xf32>
      %get3A_131 = vector.shape_cast %get3A_130 : vector<1x1x1x128xf32> to vector<1x128xf32>
      %jit3A_132 = arith.constant 0.000000e+00 : f32
      %broadcast_in_dim3A_133 = vector.broadcast %jit3A_132 : f32 to vector<1x128xf32>
      %select_n3A_134 = arith.select %eq3A_113, %get3A_119, %broadcast_in_dim3A_133 : vector<1x128xi1>, vector<1x128xf32>
      %reduce_sum3A = vector.shape_cast %select_n3A_134 : vector<1x128xf32> to vector<1x1x128xf32>
      %reduce_sum3A_135 = arith.constant dense<0.000000e+00> : vector<1xf32>
      %reduce_sum3A_136 = vector.multi_reduction <add>, %reduce_sum3A, %reduce_sum3A_135 [1, 2] : vector<1x1x128xf32> to vector<1xf32>
      %reduce_sum3A_137 = vector.shape_cast %reduce_sum3A_136 : vector<1xf32> to vector<1x1x1xf32>
      %reduce_sum3A_138 = vector.extract %reduce_sum3A_137[0, 0, 0] : f32 from vector<1x1x1xf32>
      %jit3A_139 = arith.constant 0.000000e+00 : f32
      %broadcast_in_dim3A_140 = vector.broadcast %jit3A_139 : f32 to vector<1x128xf32>
      %select_n3A_141 = arith.select %eq3A_113, %get3A_125, %broadcast_in_dim3A_140 : vector<1x128xi1>, vector<1x128xf32>
      %reduce_sum3A_142 = vector.shape_cast %select_n3A_141 : vector<1x128xf32> to vector<1x1x128xf32>
      %reduce_sum3A_143 = arith.constant dense<0.000000e+00> : vector<1xf32>
      %reduce_sum3A_144 = vector.multi_reduction <add>, %reduce_sum3A_142, %reduce_sum3A_143 [1, 2] : vector<1x1x128xf32> to vector<1xf32>
      %reduce_sum3A_145 = vector.shape_cast %reduce_sum3A_144 : vector<1xf32> to vector<1x1x1xf32>
      %reduce_sum3A_146 = vector.extract %reduce_sum3A_145[0, 0, 0] : f32 from vector<1x1x1xf32>
      %jit3A_147 = arith.constant 0.000000e+00 : f32
      %broadcast_in_dim3A_148 = vector.broadcast %jit3A_147 : f32 to vector<1x128xf32>
      %select_n3A_149 = arith.select %eq3A_113, %get3A_131, %broadcast_in_dim3A_148 : vector<1x128xi1>, vector<1x128xf32>
      %reduce_sum3A_150 = vector.shape_cast %select_n3A_149 : vector<1x128xf32> to vector<1x1x128xf32>
      %reduce_sum3A_151 = arith.constant dense<0.000000e+00> : vector<1xf32>
      %reduce_sum3A_152 = vector.multi_reduction <add>, %reduce_sum3A_150, %reduce_sum3A_151 [1, 2] : vector<1x1x128xf32> to vector<1xf32>
      %reduce_sum3A_153 = vector.shape_cast %reduce_sum3A_152 : vector<1xf32> to vector<1x1x1xf32>
      %reduce_sum3A_154 = vector.extract %reduce_sum3A_153[0, 0, 0] : f32 from vector<1x1x1xf32>
      %sub3A_155 = vector.broadcast %reduce_sum3A_138 : f32 to vector<64x128xf32>
      %sub3A_156 = arith.subf %get3A_4, %sub3A_155 : vector<64x128xf32>
      %integer_pow3A = arith.mulf %sub3A_156, %sub3A_156 : vector<64x128xf32>
      %sub3A_157 = vector.broadcast %reduce_sum3A_146 : f32 to vector<64x128xf32>
      %sub3A_158 = arith.subf %get3A_10, %sub3A_157 : vector<64x128xf32>
      %integer_pow3A_159 = arith.mulf %sub3A_158, %sub3A_158 : vector<64x128xf32>
      %add3A_160 = arith.addf %integer_pow3A, %integer_pow3A_159 : vector<64x128xf32>
      %sub3A_161 = vector.broadcast %reduce_sum3A_154 : f32 to vector<64x128xf32>
      %sub3A_162 = arith.subf %get3A_16, %sub3A_161 : vector<64x128xf32>
      %integer_pow3A_163 = arith.mulf %sub3A_162, %sub3A_162 : vector<64x128xf32>
      %add3A_164 = arith.addf %add3A_160, %integer_pow3A_163 : vector<64x128xf32>
      %min3A = arith.minimumf %scan3A_86, %add3A_164 : vector<64x128xf32>
      %reduce_max3A = vector.shape_cast %min3A : vector<64x128xf32> to vector<1x64x128xf32>
      %reduce_max3A_165 = arith.constant dense<0xFF800000> : vector<1xf32>
      %reduce_max3A_166 = vector.multi_reduction <maximumf>, %reduce_max3A, %reduce_max3A_165 [1, 2] : vector<1x64x128xf32> to vector<1xf32>
      %reduce_max3A_167 = vector.shape_cast %reduce_max3A_166 : vector<1xf32> to vector<1x1x1xf32>
      %reduce_max3A_168 = vector.extract %reduce_max3A_167[0, 0, 0] : f32 from vector<1x1x1xf32>
      %eq3A_169 = vector.broadcast %reduce_max3A_168 : f32 to vector<64x128xf32>
      %eq3A_170 = arith.cmpf oeq, %min3A, %eq3A_169 : vector<64x128xf32>
      %jit3A_171 = arith.constant 8192 : i32
      %broadcast_in_dim3A_172 = vector.broadcast %jit3A_171 : i32 to vector<64x128xi32>
      %select_n3A_173 = arith.select %eq3A_170, %add3A, %broadcast_in_dim3A_172 : vector<64x128xi1>, vector<64x128xi32>
      %reduce_min3A = vector.shape_cast %select_n3A_173 : vector<64x128xi32> to vector<1x64x128xi32>
      %reduce_min3A_174 = arith.constant dense<2147483647> : vector<1xi32>
      %reduce_min3A_175 = vector.multi_reduction <minsi>, %reduce_min3A, %reduce_min3A_174 [1, 2] : vector<1x64x128xi32> to vector<1xi32>
      %reduce_min3A_176 = vector.shape_cast %reduce_min3A_175 : vector<1xi32> to vector<1x1x1xi32>
      %reduce_min3A_177 = vector.extract %reduce_min3A_176[0, 0, 0] : i32 from vector<1x1x1xi32>
      %broadcast_in_dim3A_178 = vector.broadcast %scan3A_90 : i32 to vector<1x1xi32>
      %add3A_179 = arith.constant 0 : i32
      %add3A_180 = arith.addi %add3A_179, %scan3A_85 : i32
      %swap3A = arith.index_cast %add3A_180 : i32 to index
      %swap3A_181 = arith.constant 0 : index
      %swap3A_182 = vector.load %arg1[%swap3A, %swap3A_181] : memref<2048x1xi32, #tpu.memory_space<vmem>>, vector<1x1xi32>
      tpu.vector_store %arg1[%swap3A, %swap3A_181], %broadcast_in_dim3A_178 {strides = array<i32>} : memref<2048x1xi32, #tpu.memory_space<vmem>>, vector<1x1xi32>,
      %broadcast_in_dim3A_183 = vector.broadcast %reduce_sum3A_138 : f32 to vector<1x1xf32>
      %add3A_184 = arith.constant 0 : i32
      %add3A_185 = arith.addi %add3A_184, %scan3A_85 : i32
      %swap3A_186 = arith.index_cast %add3A_185 : i32 to index
      %swap3A_187 = arith.constant 0 : index
      %swap3A_188 = vector.load %arg2[%swap3A_186, %swap3A_187] : memref<2048x3xf32, #tpu.memory_space<vmem>>, vector<1x1xf32>
      tpu.vector_store %arg2[%swap3A_186, %swap3A_187], %broadcast_in_dim3A_183 {strides = array<i32>} : memref<2048x3xf32, #tpu.memory_space<vmem>>, vector<1x1xf32>,
      %broadcast_in_dim3A_189 = vector.broadcast %reduce_sum3A_146 : f32 to vector<1x1xf32>
      %add3A_190 = arith.constant 0 : i32
      %add3A_191 = arith.addi %add3A_190, %scan3A_85 : i32
      %swap3A_192 = arith.index_cast %add3A_191 : i32 to index
      %swap3A_193 = arith.constant 1 : index
      %swap3A_194 = vector.load %arg2[%swap3A_192, %swap3A_193] : memref<2048x3xf32, #tpu.memory_space<vmem>>, vector<1x1xf32>
      tpu.vector_store %arg2[%swap3A_192, %swap3A_193], %broadcast_in_dim3A_189 {strides = array<i32>} : memref<2048x3xf32, #tpu.memory_space<vmem>>, vector<1x1xf32>,
      %broadcast_in_dim3A_195 = vector.broadcast %reduce_sum3A_154 : f32 to vector<1x1xf32>
      %add3A_196 = arith.constant 0 : i32
      %add3A_197 = arith.addi %add3A_196, %scan3A_85 : i32
      %swap3A_198 = arith.index_cast %add3A_197 : i32 to index
      %swap3A_199 = arith.constant 2 : index
      %swap3A_200 = vector.load %arg2[%swap3A_198, %swap3A_199] : memref<2048x3xf32, #tpu.memory_space<vmem>>, vector<1x1xf32>
      tpu.vector_store %arg2[%swap3A_198, %swap3A_199], %broadcast_in_dim3A_195 {strides = array<i32>} : memref<2048x3xf32, #tpu.memory_space<vmem>>, vector<1x1xf32>,
      %jit3A_201 = arith.constant 128 : i32
      %div3A_202 = arith.divsi %scan3A_91, %jit3A_201 : i32
      %sign3A_203 = arith.constant 0 : i32
      %sign3A_204 = arith.cmpi sgt, %scan3A_91, %sign3A_203 : i32
      %sign3A_205 = arith.extui %sign3A_204 : i1 to i32
      %sign3A_206 = arith.constant 0 : i32
      %sign3A_207 = arith.cmpi slt, %scan3A_91, %sign3A_206 : i32
      %sign3A_208 = arith.extui %sign3A_207 : i1 to i32
      %sign3A_209 = arith.subi %sign3A_205, %sign3A_208 : i32
      %sign3A_210 = arith.constant 0 : i32
      %sign3A_211 = arith.cmpi sgt, %jit3A_201, %sign3A_210 : i32
      %sign3A_212 = arith.extui %sign3A_211 : i1 to i32
      %sign3A_213 = arith.constant 0 : i32
      %sign3A_214 = arith.cmpi slt, %jit3A_201, %sign3A_213 : i32
      %sign3A_215 = arith.extui %sign3A_214 : i1 to i32
      %sign3A_216 = arith.subi %sign3A_212, %sign3A_215 : i32
      %ne3A_217 = arith.cmpi ne, %sign3A_209, %sign3A_216 : i32
      %rem3A_218 = arith.remsi %scan3A_91, %jit3A_201 : i32
      %ne3A_219 = arith.constant 0 : i32
      %ne3A_220 = arith.cmpi ne, %rem3A_218, %ne3A_219 : i32
      %and3A_221 = arith.andi %ne3A_217, %ne3A_220 : i1
      %sub3A_222 = arith.constant 1 : i32
      %sub3A_223 = arith.subi %div3A_202, %sub3A_222 : i32
      %select_n3A_224 = arith.select %and3A_221, %sub3A_223, %div3A_202 : i32
      %mul3A_225 = arith.constant 128 : i32
      %mul3A_226 = arith.muli %select_n3A_224, %mul3A_225 : i32
      %sub3A_227 = arith.subi %scan3A_91, %mul3A_226 : i32
      %eq3A_228 = vector.broadcast %sub3A_227 : i32 to vector<1x128xi32>
      %eq3A_229 = arith.cmpi eq, %iota3A_74, %eq3A_228 : vector<1x128xi32>
      %get3A_230 = arith.constant 1 : index
      %get3A_231 = arith.constant 0 : index
      %get3A_232 = arith.index_cast %select_n3A_224 : i32 to index
      %get3A_233 = arith.constant 0 : index
      %get3A_234 = vector.load %arg0[%get3A_230, %get3A_231, %get3A_232, %get3A_233] : memref<4x3x64x128xf32, #tpu.memory_space<vmem>>, vector<1x1x1x128xf32>
      %get3A_235 = vector.shape_cast %get3A_234 : vector<1x1x1x128xf32> to vector<1x128xf32>
      %get3A_236 = arith.constant 1 : index
      %get3A_237 = arith.constant 1 : index
      %get3A_238 = arith.index_cast %select_n3A_224 : i32 to index
      %get3A_239 = arith.constant 0 : index
      %get3A_240 = vector.load %arg0[%get3A_236, %get3A_237, %get3A_238, %get3A_239] : memref<4x3x64x128xf32, #tpu.memory_space<vmem>>, vector<1x1x1x128xf32>
      %get3A_241 = vector.shape_cast %get3A_240 : vector<1x1x1x128xf32> to vector<1x128xf32>
      %get3A_242 = arith.constant 1 : index
      %get3A_243 = arith.constant 2 : index
      %get3A_244 = arith.index_cast %select_n3A_224 : i32 to index
      %get3A_245 = arith.constant 0 : index
      %get3A_246 = vector.load %arg0[%get3A_242, %get3A_243, %get3A_244, %get3A_245] : memref<4x3x64x128xf32, #tpu.memory_space<vmem>>, vector<1x1x1x128xf32>
      %get3A_247 = vector.shape_cast %get3A_246 : vector<1x1x1x128xf32> to vector<1x128xf32>
      %jit3A_248 = arith.constant 0.000000e+00 : f32
      %broadcast_in_dim3A_249 = vector.broadcast %jit3A_248 : f32 to vector<1x128xf32>
      %select_n3A_250 = arith.select %eq3A_229, %get3A_235, %broadcast_in_dim3A_249 : vector<1x128xi1>, vector<1x128xf32>
      %reduce_sum3A_251 = vector.shape_cast %select_n3A_250 : vector<1x128xf32> to vector<1x1x128xf32>
      %reduce_sum3A_252 = arith.constant dense<0.000000e+00> : vector<1xf32>
      %reduce_sum3A_253 = vector.multi_reduction <add>, %reduce_sum3A_251, %reduce_sum3A_252 [1, 2] : vector<1x1x128xf32> to vector<1xf32>
      %reduce_sum3A_254 = vector.shape_cast %reduce_sum3A_253 : vector<1xf32> to vector<1x1x1xf32>
      %reduce_sum3A_255 = vector.extract %reduce_sum3A_254[0, 0, 0] : f32 from vector<1x1x1xf32>
      %jit3A_256 = arith.constant 0.000000e+00 : f32
      %broadcast_in_dim3A_257 = vector.broadcast %jit3A_256 : f32 to vector<1x128xf32>
      %select_n3A_258 = arith.select %eq3A_229, %get3A_241, %broadcast_in_dim3A_257 : vector<1x128xi1>, vector<1x128xf32>
      %reduce_sum3A_259 = vector.shape_cast %select_n3A_258 : vector<1x128xf32> to vector<1x1x128xf32>
      %reduce_sum3A_260 = arith.constant dense<0.000000e+00> : vector<1xf32>
      %reduce_sum3A_261 = vector.multi_reduction <add>, %reduce_sum3A_259, %reduce_sum3A_260 [1, 2] : vector<1x1x128xf32> to vector<1xf32>
      %reduce_sum3A_262 = vector.shape_cast %reduce_sum3A_261 : vector<1xf32> to vector<1x1x1xf32>
      %reduce_sum3A_263 = vector.extract %reduce_sum3A_262[0, 0, 0] : f32 from vector<1x1x1xf32>
      %jit3A_264 = arith.constant 0.000000e+00 : f32
      %broadcast_in_dim3A_265 = vector.broadcast %jit3A_264 : f32 to vector<1x128xf32>
      %select_n3A_266 = arith.select %eq3A_229, %get3A_247, %broadcast_in_dim3A_265 : vector<1x128xi1>, vector<1x128xf32>
      %reduce_sum3A_267 = vector.shape_cast %select_n3A_266 : vector<1x128xf32> to vector<1x1x128xf32>
      %reduce_sum3A_268 = arith.constant dense<0.000000e+00> : vector<1xf32>
      %reduce_sum3A_269 = vector.multi_reduction <add>, %reduce_sum3A_267, %reduce_sum3A_268 [1, 2] : vector<1x1x128xf32> to vector<1xf32>
      %reduce_sum3A_270 = vector.shape_cast %reduce_sum3A_269 : vector<1xf32> to vector<1x1x1xf32>
      %reduce_sum3A_271 = vector.extract %reduce_sum3A_270[0, 0, 0] : f32 from vector<1x1x1xf32>
      %sub3A_272 = vector.broadcast %reduce_sum3A_255 : f32 to vector<64x128xf32>
      %sub3A_273 = arith.subf %get3A_22, %sub3A_272 : vector<64x128xf32>
      %integer_pow3A_274 = arith.mulf %sub3A_273, %sub3A_273 : vector<64x128xf32>
      %sub3A_275 = vector.broadcast %reduce_sum3A_263 : f32 to vector<64x128xf32>
      %sub3A_276 = arith.subf %get3A_28, %sub3A_275 : vector<64x128xf32>
      %integer_pow3A_277 = arith.mulf %sub3A_276, %sub3A_276 : vector<64x128xf32>
      %add3A_278 = arith.addf %integer_pow3A_274, %integer_pow3A_277 : vector<64x128xf32>
      %sub3A_279 = vector.broadcast %reduce_sum3A_271 : f32 to vector<64x128xf32>
      %sub3A_280 = arith.subf %get3A_34, %sub3A_279 : vector<64x128xf32>
      %integer_pow3A_281 = arith.mulf %sub3A_280, %sub3A_280 : vector<64x128xf32>
      %add3A_282 = arith.addf %add3A_278, %integer_pow3A_281 : vector<64x128xf32>
      %min3A_283 = arith.minimumf %scan3A_87, %add3A_282 : vector<64x128xf32>
      %reduce_max3A_284 = vector.shape_cast %min3A_283 : vector<64x128xf32> to vector<1x64x128xf32>
      %reduce_max3A_285 = arith.constant dense<0xFF800000> : vector<1xf32>
      %reduce_max3A_286 = vector.multi_reduction <maximumf>, %reduce_max3A_284, %reduce_max3A_285 [1, 2] : vector<1x64x128xf32> to vector<1xf32>
      %reduce_max3A_287 = vector.shape_cast %reduce_max3A_286 : vector<1xf32> to vector<1x1x1xf32>
      %reduce_max3A_288 = vector.extract %reduce_max3A_287[0, 0, 0] : f32 from vector<1x1x1xf32>
      %eq3A_289 = vector.broadcast %reduce_max3A_288 : f32 to vector<64x128xf32>
      %eq3A_290 = arith.cmpf oeq, %min3A_283, %eq3A_289 : vector<64x128xf32>
      %jit3A_291 = arith.constant 8192 : i32
      %broadcast_in_dim3A_292 = vector.broadcast %jit3A_291 : i32 to vector<64x128xi32>
      %select_n3A_293 = arith.select %eq3A_290, %add3A, %broadcast_in_dim3A_292 : vector<64x128xi1>, vector<64x128xi32>
      %reduce_min3A_294 = vector.shape_cast %select_n3A_293 : vector<64x128xi32> to vector<1x64x128xi32>
      %reduce_min3A_295 = arith.constant dense<2147483647> : vector<1xi32>
      %reduce_min3A_296 = vector.multi_reduction <minsi>, %reduce_min3A_294, %reduce_min3A_295 [1, 2] : vector<1x64x128xi32> to vector<1xi32>
      %reduce_min3A_297 = vector.shape_cast %reduce_min3A_296 : vector<1xi32> to vector<1x1x1xi32>
      %reduce_min3A_298 = vector.extract %reduce_min3A_297[0, 0, 0] : i32 from vector<1x1x1xi32>
      %broadcast_in_dim3A_299 = vector.broadcast %scan3A_91 : i32 to vector<1x1xi32>
      %add3A_300 = arith.constant 512 : i32
      %add3A_301 = arith.addi %add3A_300, %scan3A_85 : i32
      %swap3A_302 = arith.index_cast %add3A_301 : i32 to index
      %swap3A_303 = arith.constant 0 : index
      %swap3A_304 = vector.load %arg1[%swap3A_302, %swap3A_303] : memref<2048x1xi32, #tpu.memory_space<vmem>>, vector<1x1xi32>
      tpu.vector_store %arg1[%swap3A_302, %swap3A_303], %broadcast_in_dim3A_299 {strides = array<i32>} : memref<2048x1xi32, #tpu.memory_space<vmem>>, vector<1x1xi32>,
      %broadcast_in_dim3A_305 = vector.broadcast %reduce_sum3A_255 : f32 to vector<1x1xf32>
      %add3A_306 = arith.constant 512 : i32
      %add3A_307 = arith.addi %add3A_306, %scan3A_85 : i32
      %swap3A_308 = arith.index_cast %add3A_307 : i32 to index
      %swap3A_309 = arith.constant 0 : index
      %swap3A_310 = vector.load %arg2[%swap3A_308, %swap3A_309] : memref<2048x3xf32, #tpu.memory_space<vmem>>, vector<1x1xf32>
      tpu.vector_store %arg2[%swap3A_308, %swap3A_309], %broadcast_in_dim3A_305 {strides = array<i32>} : memref<2048x3xf32, #tpu.memory_space<vmem>>, vector<1x1xf32>,
      %broadcast_in_dim3A_311 = vector.broadcast %reduce_sum3A_263 : f32 to vector<1x1xf32>
      %add3A_312 = arith.constant 512 : i32
      %add3A_313 = arith.addi %add3A_312, %scan3A_85 : i32
      %swap3A_314 = arith.index_cast %add3A_313 : i32 to index
      %swap3A_315 = arith.constant 1 : index
      %swap3A_316 = vector.load %arg2[%swap3A_314, %swap3A_315] : memref<2048x3xf32, #tpu.memory_space<vmem>>, vector<1x1xf32>
      tpu.vector_store %arg2[%swap3A_314, %swap3A_315], %broadcast_in_dim3A_311 {strides = array<i32>} : memref<2048x3xf32, #tpu.memory_space<vmem>>, vector<1x1xf32>,
      %broadcast_in_dim3A_317 = vector.broadcast %reduce_sum3A_271 : f32 to vector<1x1xf32>
      %add3A_318 = arith.constant 512 : i32
      %add3A_319 = arith.addi %add3A_318, %scan3A_85 : i32
      %swap3A_320 = arith.index_cast %add3A_319 : i32 to index
      %swap3A_321 = arith.constant 2 : index
      %swap3A_322 = vector.load %arg2[%swap3A_320, %swap3A_321] : memref<2048x3xf32, #tpu.memory_space<vmem>>, vector<1x1xf32>
      tpu.vector_store %arg2[%swap3A_320, %swap3A_321], %broadcast_in_dim3A_317 {strides = array<i32>} : memref<2048x3xf32, #tpu.memory_space<vmem>>, vector<1x1xf32>,
      %jit3A_323 = arith.constant 128 : i32
      %div3A_324 = arith.divsi %scan3A_92, %jit3A_323 : i32
      %sign3A_325 = arith.constant 0 : i32
      %sign3A_326 = arith.cmpi sgt, %scan3A_92, %sign3A_325 : i32
      %sign3A_327 = arith.extui %sign3A_326 : i1 to i32
      %sign3A_328 = arith.constant 0 : i32
      %sign3A_329 = arith.cmpi slt, %scan3A_92, %sign3A_328 : i32
      %sign3A_330 = arith.extui %sign3A_329 : i1 to i32
      %sign3A_331 = arith.subi %sign3A_327, %sign3A_330 : i32
      %sign3A_332 = arith.constant 0 : i32
      %sign3A_333 = arith.cmpi sgt, %jit3A_323, %sign3A_332 : i32
      %sign3A_334 = arith.extui %sign3A_333 : i1 to i32
      %sign3A_335 = arith.constant 0 : i32
      %sign3A_336 = arith.cmpi slt, %jit3A_323, %sign3A_335 : i32
      %sign3A_337 = arith.extui %sign3A_336 : i1 to i32
      %sign3A_338 = arith.subi %sign3A_334, %sign3A_337 : i32
      %ne3A_339 = arith.cmpi ne, %sign3A_331, %sign3A_338 : i32
      %rem3A_340 = arith.remsi %scan3A_92, %jit3A_323 : i32
      %ne3A_341 = arith.constant 0 : i32
      %ne3A_342 = arith.cmpi ne, %rem3A_340, %ne3A_341 : i32
      %and3A_343 = arith.andi %ne3A_339, %ne3A_342 : i1
      %sub3A_344 = arith.constant 1 : i32
      %sub3A_345 = arith.subi %div3A_324, %sub3A_344 : i32
      %select_n3A_346 = arith.select %and3A_343, %sub3A_345, %div3A_324 : i32
      %mul3A_347 = arith.constant 128 : i32
      %mul3A_348 = arith.muli %select_n3A_346, %mul3A_347 : i32
      %sub3A_349 = arith.subi %scan3A_92, %mul3A_348 : i32
      %eq3A_350 = vector.broadcast %sub3A_349 : i32 to vector<1x128xi32>
      %eq3A_351 = arith.cmpi eq, %iota3A_74, %eq3A_350 : vector<1x128xi32>
      %get3A_352 = arith.constant 2 : index
      %get3A_353 = arith.constant 0 : index
      %get3A_354 = arith.index_cast %select_n3A_346 : i32 to index
      %get3A_355 = arith.constant 0 : index
      %get3A_356 = vector.load %arg0[%get3A_352, %get3A_353, %get3A_354, %get3A_355] : memref<4x3x64x128xf32, #tpu.memory_space<vmem>>, vector<1x1x1x128xf32>
      %get3A_357 = vector.shape_cast %get3A_356 : vector<1x1x1x128xf32> to vector<1x128xf32>
      %get3A_358 = arith.constant 2 : index
      %get3A_359 = arith.constant 1 : index
      %get3A_360 = arith.index_cast %select_n3A_346 : i32 to index
      %get3A_361 = arith.constant 0 : index
      %get3A_362 = vector.load %arg0[%get3A_358, %get3A_359, %get3A_360, %get3A_361] : memref<4x3x64x128xf32, #tpu.memory_space<vmem>>, vector<1x1x1x128xf32>
      %get3A_363 = vector.shape_cast %get3A_362 : vector<1x1x1x128xf32> to vector<1x128xf32>
      %get3A_364 = arith.constant 2 : index
      %get3A_365 = arith.constant 2 : index
      %get3A_366 = arith.index_cast %select_n3A_346 : i32 to index
      %get3A_367 = arith.constant 0 : index
      %get3A_368 = vector.load %arg0[%get3A_364, %get3A_365, %get3A_366, %get3A_367] : memref<4x3x64x128xf32, #tpu.memory_space<vmem>>, vector<1x1x1x128xf32>
      %get3A_369 = vector.shape_cast %get3A_368 : vector<1x1x1x128xf32> to vector<1x128xf32>
      %jit3A_370 = arith.constant 0.000000e+00 : f32
      %broadcast_in_dim3A_371 = vector.broadcast %jit3A_370 : f32 to vector<1x128xf32>
      %select_n3A_372 = arith.select %eq3A_351, %get3A_357, %broadcast_in_dim3A_371 : vector<1x128xi1>, vector<1x128xf32>
      %reduce_sum3A_373 = vector.shape_cast %select_n3A_372 : vector<1x128xf32> to vector<1x1x128xf32>
      %reduce_sum3A_374 = arith.constant dense<0.000000e+00> : vector<1xf32>
      %reduce_sum3A_375 = vector.multi_reduction <add>, %reduce_sum3A_373, %reduce_sum3A_374 [1, 2] : vector<1x1x128xf32> to vector<1xf32>
      %reduce_sum3A_376 = vector.shape_cast %reduce_sum3A_375 : vector<1xf32> to vector<1x1x1xf32>
      %reduce_sum3A_377 = vector.extract %reduce_sum3A_376[0, 0, 0] : f32 from vector<1x1x1xf32>
      %jit3A_378 = arith.constant 0.000000e+00 : f32
      %broadcast_in_dim3A_379 = vector.broadcast %jit3A_378 : f32 to vector<1x128xf32>
      %select_n3A_380 = arith.select %eq3A_351, %get3A_363, %broadcast_in_dim3A_379 : vector<1x128xi1>, vector<1x128xf32>
      %reduce_sum3A_381 = vector.shape_cast %select_n3A_380 : vector<1x128xf32> to vector<1x1x128xf32>
      %reduce_sum3A_382 = arith.constant dense<0.000000e+00> : vector<1xf32>
      %reduce_sum3A_383 = vector.multi_reduction <add>, %reduce_sum3A_381, %reduce_sum3A_382 [1, 2] : vector<1x1x128xf32> to vector<1xf32>
      %reduce_sum3A_384 = vector.shape_cast %reduce_sum3A_383 : vector<1xf32> to vector<1x1x1xf32>
      %reduce_sum3A_385 = vector.extract %reduce_sum3A_384[0, 0, 0] : f32 from vector<1x1x1xf32>
      %jit3A_386 = arith.constant 0.000000e+00 : f32
      %broadcast_in_dim3A_387 = vector.broadcast %jit3A_386 : f32 to vector<1x128xf32>
      %select_n3A_388 = arith.select %eq3A_351, %get3A_369, %broadcast_in_dim3A_387 : vector<1x128xi1>, vector<1x128xf32>
      %reduce_sum3A_389 = vector.shape_cast %select_n3A_388 : vector<1x128xf32> to vector<1x1x128xf32>
      %reduce_sum3A_390 = arith.constant dense<0.000000e+00> : vector<1xf32>
      %reduce_sum3A_391 = vector.multi_reduction <add>, %reduce_sum3A_389, %reduce_sum3A_390 [1, 2] : vector<1x1x128xf32> to vector<1xf32>
      %reduce_sum3A_392 = vector.shape_cast %reduce_sum3A_391 : vector<1xf32> to vector<1x1x1xf32>
      %reduce_sum3A_393 = vector.extract %reduce_sum3A_392[0, 0, 0] : f32 from vector<1x1x1xf32>
      %sub3A_394 = vector.broadcast %reduce_sum3A_377 : f32 to vector<64x128xf32>
      %sub3A_395 = arith.subf %get3A_40, %sub3A_394 : vector<64x128xf32>
      %integer_pow3A_396 = arith.mulf %sub3A_395, %sub3A_395 : vector<64x128xf32>
      %sub3A_397 = vector.broadcast %reduce_sum3A_385 : f32 to vector<64x128xf32>
      %sub3A_398 = arith.subf %get3A_46, %sub3A_397 : vector<64x128xf32>
      %integer_pow3A_399 = arith.mulf %sub3A_398, %sub3A_398 : vector<64x128xf32>
      %add3A_400 = arith.addf %integer_pow3A_396, %integer_pow3A_399 : vector<64x128xf32>
      %sub3A_401 = vector.broadcast %reduce_sum3A_393 : f32 to vector<64x128xf32>
      %sub3A_402 = arith.subf %get3A_52, %sub3A_401 : vector<64x128xf32>
      %integer_pow3A_403 = arith.mulf %sub3A_402, %sub3A_402 : vector<64x128xf32>
      %add3A_404 = arith.addf %add3A_400, %integer_pow3A_403 : vector<64x128xf32>
      %min3A_405 = arith.minimumf %scan3A_88, %add3A_404 : vector<64x128xf32>
      %reduce_max3A_406 = vector.shape_cast %min3A_405 : vector<64x128xf32> to vector<1x64x128xf32>
      %reduce_max3A_407 = arith.constant dense<0xFF800000> : vector<1xf32>
      %reduce_max3A_408 = vector.multi_reduction <maximumf>, %reduce_max3A_406, %reduce_max3A_407 [1, 2] : vector<1x64x128xf32> to vector<1xf32>
      %reduce_max3A_409 = vector.shape_cast %reduce_max3A_408 : vector<1xf32> to vector<1x1x1xf32>
      %reduce_max3A_410 = vector.extract %reduce_max3A_409[0, 0, 0] : f32 from vector<1x1x1xf32>
      %eq3A_411 = vector.broadcast %reduce_max3A_410 : f32 to vector<64x128xf32>
      %eq3A_412 = arith.cmpf oeq, %min3A_405, %eq3A_411 : vector<64x128xf32>
      %jit3A_413 = arith.constant 8192 : i32
      %broadcast_in_dim3A_414 = vector.broadcast %jit3A_413 : i32 to vector<64x128xi32>
      %select_n3A_415 = arith.select %eq3A_412, %add3A, %broadcast_in_dim3A_414 : vector<64x128xi1>, vector<64x128xi32>
      %reduce_min3A_416 = vector.shape_cast %select_n3A_415 : vector<64x128xi32> to vector<1x64x128xi32>
      %reduce_min3A_417 = arith.constant dense<2147483647> : vector<1xi32>
      %reduce_min3A_418 = vector.multi_reduction <minsi>, %reduce_min3A_416, %reduce_min3A_417 [1, 2] : vector<1x64x128xi32> to vector<1xi32>
      %reduce_min3A_419 = vector.shape_cast %reduce_min3A_418 : vector<1xi32> to vector<1x1x1xi32>
      %reduce_min3A_420 = vector.extract %reduce_min3A_419[0, 0, 0] : i32 from vector<1x1x1xi32>
      %broadcast_in_dim3A_421 = vector.broadcast %scan3A_92 : i32 to vector<1x1xi32>
      %add3A_422 = arith.constant 1024 : i32
      %add3A_423 = arith.addi %add3A_422, %scan3A_85 : i32
      %swap3A_424 = arith.index_cast %add3A_423 : i32 to index
      %swap3A_425 = arith.constant 0 : index
      %swap3A_426 = vector.load %arg1[%swap3A_424, %swap3A_425] : memref<2048x1xi32, #tpu.memory_space<vmem>>, vector<1x1xi32>
      tpu.vector_store %arg1[%swap3A_424, %swap3A_425], %broadcast_in_dim3A_421 {strides = array<i32>} : memref<2048x1xi32, #tpu.memory_space<vmem>>, vector<1x1xi32>,
      %broadcast_in_dim3A_427 = vector.broadcast %reduce_sum3A_377 : f32 to vector<1x1xf32>
      %add3A_428 = arith.constant 1024 : i32
      %add3A_429 = arith.addi %add3A_428, %scan3A_85 : i32
      %swap3A_430 = arith.index_cast %add3A_429 : i32 to index
      %swap3A_431 = arith.constant 0 : index
      %swap3A_432 = vector.load %arg2[%swap3A_430, %swap3A_431] : memref<2048x3xf32, #tpu.memory_space<vmem>>, vector<1x1xf32>
      tpu.vector_store %arg2[%swap3A_430, %swap3A_431], %broadcast_in_dim3A_427 {strides = array<i32>} : memref<2048x3xf32, #tpu.memory_space<vmem>>, vector<1x1xf32>,
      %broadcast_in_dim3A_433 = vector.broadcast %reduce_sum3A_385 : f32 to vector<1x1xf32>
      %add3A_434 = arith.constant 1024 : i32
      %add3A_435 = arith.addi %add3A_434, %scan3A_85 : i32
      %swap3A_436 = arith.index_cast %add3A_435 : i32 to index
      %swap3A_437 = arith.constant 1 : index
      %swap3A_438 = vector.load %arg2[%swap3A_436, %swap3A_437] : memref<2048x3xf32, #tpu.memory_space<vmem>>, vector<1x1xf32>
      tpu.vector_store %arg2[%swap3A_436, %swap3A_437], %broadcast_in_dim3A_433 {strides = array<i32>} : memref<2048x3xf32, #tpu.memory_space<vmem>>, vector<1x1xf32>,
      %broadcast_in_dim3A_439 = vector.broadcast %reduce_sum3A_393 : f32 to vector<1x1xf32>
      %add3A_440 = arith.constant 1024 : i32
      %add3A_441 = arith.addi %add3A_440, %scan3A_85 : i32
      %swap3A_442 = arith.index_cast %add3A_441 : i32 to index
      %swap3A_443 = arith.constant 2 : index
      %swap3A_444 = vector.load %arg2[%swap3A_442, %swap3A_443] : memref<2048x3xf32, #tpu.memory_space<vmem>>, vector<1x1xf32>
      tpu.vector_store %arg2[%swap3A_442, %swap3A_443], %broadcast_in_dim3A_439 {strides = array<i32>} : memref<2048x3xf32, #tpu.memory_space<vmem>>, vector<1x1xf32>,
      %jit3A_445 = arith.constant 128 : i32
      %div3A_446 = arith.divsi %scan3A_93, %jit3A_445 : i32
      %sign3A_447 = arith.constant 0 : i32
      %sign3A_448 = arith.cmpi sgt, %scan3A_93, %sign3A_447 : i32
      %sign3A_449 = arith.extui %sign3A_448 : i1 to i32
      %sign3A_450 = arith.constant 0 : i32
      %sign3A_451 = arith.cmpi slt, %scan3A_93, %sign3A_450 : i32
      %sign3A_452 = arith.extui %sign3A_451 : i1 to i32
      %sign3A_453 = arith.subi %sign3A_449, %sign3A_452 : i32
      %sign3A_454 = arith.constant 0 : i32
      %sign3A_455 = arith.cmpi sgt, %jit3A_445, %sign3A_454 : i32
      %sign3A_456 = arith.extui %sign3A_455 : i1 to i32
      %sign3A_457 = arith.constant 0 : i32
      %sign3A_458 = arith.cmpi slt, %jit3A_445, %sign3A_457 : i32
      %sign3A_459 = arith.extui %sign3A_458 : i1 to i32
      %sign3A_460 = arith.subi %sign3A_456, %sign3A_459 : i32
      %ne3A_461 = arith.cmpi ne, %sign3A_453, %sign3A_460 : i32
      %rem3A_462 = arith.remsi %scan3A_93, %jit3A_445 : i32
      %ne3A_463 = arith.constant 0 : i32
      %ne3A_464 = arith.cmpi ne, %rem3A_462, %ne3A_463 : i32
      %and3A_465 = arith.andi %ne3A_461, %ne3A_464 : i1
      %sub3A_466 = arith.constant 1 : i32
      %sub3A_467 = arith.subi %div3A_446, %sub3A_466 : i32
      %select_n3A_468 = arith.select %and3A_465, %sub3A_467, %div3A_446 : i32
      %mul3A_469 = arith.constant 128 : i32
      %mul3A_470 = arith.muli %select_n3A_468, %mul3A_469 : i32
      %sub3A_471 = arith.subi %scan3A_93, %mul3A_470 : i32
      %eq3A_472 = vector.broadcast %sub3A_471 : i32 to vector<1x128xi32>
      %eq3A_473 = arith.cmpi eq, %iota3A_74, %eq3A_472 : vector<1x128xi32>
      %get3A_474 = arith.constant 3 : index
      %get3A_475 = arith.constant 0 : index
      %get3A_476 = arith.index_cast %select_n3A_468 : i32 to index
      %get3A_477 = arith.constant 0 : index
      %get3A_478 = vector.load %arg0[%get3A_474, %get3A_475, %get3A_476, %get3A_477] : memref<4x3x64x128xf32, #tpu.memory_space<vmem>>, vector<1x1x1x128xf32>
      %get3A_479 = vector.shape_cast %get3A_478 : vector<1x1x1x128xf32> to vector<1x128xf32>
      %get3A_480 = arith.constant 3 : index
      %get3A_481 = arith.constant 1 : index
      %get3A_482 = arith.index_cast %select_n3A_468 : i32 to index
      %get3A_483 = arith.constant 0 : index
      %get3A_484 = vector.load %arg0[%get3A_480, %get3A_481, %get3A_482, %get3A_483] : memref<4x3x64x128xf32, #tpu.memory_space<vmem>>, vector<1x1x1x128xf32>
      %get3A_485 = vector.shape_cast %get3A_484 : vector<1x1x1x128xf32> to vector<1x128xf32>
      %get3A_486 = arith.constant 3 : index
      %get3A_487 = arith.constant 2 : index
      %get3A_488 = arith.index_cast %select_n3A_468 : i32 to index
      %get3A_489 = arith.constant 0 : index
      %get3A_490 = vector.load %arg0[%get3A_486, %get3A_487, %get3A_488, %get3A_489] : memref<4x3x64x128xf32, #tpu.memory_space<vmem>>, vector<1x1x1x128xf32>
      %get3A_491 = vector.shape_cast %get3A_490 : vector<1x1x1x128xf32> to vector<1x128xf32>
      %jit3A_492 = arith.constant 0.000000e+00 : f32
      %broadcast_in_dim3A_493 = vector.broadcast %jit3A_492 : f32 to vector<1x128xf32>
      %select_n3A_494 = arith.select %eq3A_473, %get3A_479, %broadcast_in_dim3A_493 : vector<1x128xi1>, vector<1x128xf32>
      %reduce_sum3A_495 = vector.shape_cast %select_n3A_494 : vector<1x128xf32> to vector<1x1x128xf32>
      %reduce_sum3A_496 = arith.constant dense<0.000000e+00> : vector<1xf32>
      %reduce_sum3A_497 = vector.multi_reduction <add>, %reduce_sum3A_495, %reduce_sum3A_496 [1, 2] : vector<1x1x128xf32> to vector<1xf32>
      %reduce_sum3A_498 = vector.shape_cast %reduce_sum3A_497 : vector<1xf32> to vector<1x1x1xf32>
      %reduce_sum3A_499 = vector.extract %reduce_sum3A_498[0, 0, 0] : f32 from vector<1x1x1xf32>
      %jit3A_500 = arith.constant 0.000000e+00 : f32
      %broadcast_in_dim3A_501 = vector.broadcast %jit3A_500 : f32 to vector<1x128xf32>
      %select_n3A_502 = arith.select %eq3A_473, %get3A_485, %broadcast_in_dim3A_501 : vector<1x128xi1>, vector<1x128xf32>
      %reduce_sum3A_503 = vector.shape_cast %select_n3A_502 : vector<1x128xf32> to vector<1x1x128xf32>
      %reduce_sum3A_504 = arith.constant dense<0.000000e+00> : vector<1xf32>
      %reduce_sum3A_505 = vector.multi_reduction <add>, %reduce_sum3A_503, %reduce_sum3A_504 [1, 2] : vector<1x1x128xf32> to vector<1xf32>
      %reduce_sum3A_506 = vector.shape_cast %reduce_sum3A_505 : vector<1xf32> to vector<1x1x1xf32>
      %reduce_sum3A_507 = vector.extract %reduce_sum3A_506[0, 0, 0] : f32 from vector<1x1x1xf32>
      %jit3A_508 = arith.constant 0.000000e+00 : f32
      %broadcast_in_dim3A_509 = vector.broadcast %jit3A_508 : f32 to vector<1x128xf32>
      %select_n3A_510 = arith.select %eq3A_473, %get3A_491, %broadcast_in_dim3A_509 : vector<1x128xi1>, vector<1x128xf32>
      %reduce_sum3A_511 = vector.shape_cast %select_n3A_510 : vector<1x128xf32> to vector<1x1x128xf32>
      %reduce_sum3A_512 = arith.constant dense<0.000000e+00> : vector<1xf32>
      %reduce_sum3A_513 = vector.multi_reduction <add>, %reduce_sum3A_511, %reduce_sum3A_512 [1, 2] : vector<1x1x128xf32> to vector<1xf32>
      %reduce_sum3A_514 = vector.shape_cast %reduce_sum3A_513 : vector<1xf32> to vector<1x1x1xf32>
      %reduce_sum3A_515 = vector.extract %reduce_sum3A_514[0, 0, 0] : f32 from vector<1x1x1xf32>
      %sub3A_516 = vector.broadcast %reduce_sum3A_499 : f32 to vector<64x128xf32>
      %sub3A_517 = arith.subf %get3A_58, %sub3A_516 : vector<64x128xf32>
      %integer_pow3A_518 = arith.mulf %sub3A_517, %sub3A_517 : vector<64x128xf32>
      %sub3A_519 = vector.broadcast %reduce_sum3A_507 : f32 to vector<64x128xf32>
      %sub3A_520 = arith.subf %get3A_64, %sub3A_519 : vector<64x128xf32>
      %integer_pow3A_521 = arith.mulf %sub3A_520, %sub3A_520 : vector<64x128xf32>
      %add3A_522 = arith.addf %integer_pow3A_518, %integer_pow3A_521 : vector<64x128xf32>
      %sub3A_523 = vector.broadcast %reduce_sum3A_515 : f32 to vector<64x128xf32>
      %sub3A_524 = arith.subf %get3A_70, %sub3A_523 : vector<64x128xf32>
      %integer_pow3A_525 = arith.mulf %sub3A_524, %sub3A_524 : vector<64x128xf32>
      %add3A_526 = arith.addf %add3A_522, %integer_pow3A_525 : vector<64x128xf32>
      %min3A_527 = arith.minimumf %scan3A_89, %add3A_526 : vector<64x128xf32>
      %reduce_max3A_528 = vector.shape_cast %min3A_527 : vector<64x128xf32> to vector<1x64x128xf32>
      %reduce_max3A_529 = arith.constant dense<0xFF800000> : vector<1xf32>
      %reduce_max3A_530 = vector.multi_reduction <maximumf>, %reduce_max3A_528, %reduce_max3A_529 [1, 2] : vector<1x64x128xf32> to vector<1xf32>
      %reduce_max3A_531 = vector.shape_cast %reduce_max3A_530 : vector<1xf32> to vector<1x1x1xf32>
      %reduce_max3A_532 = vector.extract %reduce_max3A_531[0, 0, 0] : f32 from vector<1x1x1xf32>
      %eq3A_533 = vector.broadcast %reduce_max3A_532 : f32 to vector<64x128xf32>
      %eq3A_534 = arith.cmpf oeq, %min3A_527, %eq3A_533 : vector<64x128xf32>
      %jit3A_535 = arith.constant 8192 : i32
      %broadcast_in_dim3A_536 = vector.broadcast %jit3A_535 : i32 to vector<64x128xi32>
      %select_n3A_537 = arith.select %eq3A_534, %add3A, %broadcast_in_dim3A_536 : vector<64x128xi1>, vector<64x128xi32>
      %reduce_min3A_538 = vector.shape_cast %select_n3A_537 : vector<64x128xi32> to vector<1x64x128xi32>
      %reduce_min3A_539 = arith.constant dense<2147483647> : vector<1xi32>
      %reduce_min3A_540 = vector.multi_reduction <minsi>, %reduce_min3A_538, %reduce_min3A_539 [1, 2] : vector<1x64x128xi32> to vector<1xi32>
      %reduce_min3A_541 = vector.shape_cast %reduce_min3A_540 : vector<1xi32> to vector<1x1x1xi32>
      %reduce_min3A_542 = vector.extract %reduce_min3A_541[0, 0, 0] : i32 from vector<1x1x1xi32>
      %broadcast_in_dim3A_543 = vector.broadcast %scan3A_93 : i32 to vector<1x1xi32>
      %add3A_544 = arith.constant 1536 : i32
      %add3A_545 = arith.addi %add3A_544, %scan3A_85 : i32
      %swap3A_546 = arith.index_cast %add3A_545 : i32 to index
      %swap3A_547 = arith.constant 0 : index
      %swap3A_548 = vector.load %arg1[%swap3A_546, %swap3A_547] : memref<2048x1xi32, #tpu.memory_space<vmem>>, vector<1x1xi32>
      tpu.vector_store %arg1[%swap3A_546, %swap3A_547], %broadcast_in_dim3A_543 {strides = array<i32>} : memref<2048x1xi32, #tpu.memory_space<vmem>>, vector<1x1xi32>,
      %broadcast_in_dim3A_549 = vector.broadcast %reduce_sum3A_499 : f32 to vector<1x1xf32>
      %add3A_550 = arith.constant 1536 : i32
      %add3A_551 = arith.addi %add3A_550, %scan3A_85 : i32
      %swap3A_552 = arith.index_cast %add3A_551 : i32 to index
      %swap3A_553 = arith.constant 0 : index
      %swap3A_554 = vector.load %arg2[%swap3A_552, %swap3A_553] : memref<2048x3xf32, #tpu.memory_space<vmem>>, vector<1x1xf32>
      tpu.vector_store %arg2[%swap3A_552, %swap3A_553], %broadcast_in_dim3A_549 {strides = array<i32>} : memref<2048x3xf32, #tpu.memory_space<vmem>>, vector<1x1xf32>,
      %broadcast_in_dim3A_555 = vector.broadcast %reduce_sum3A_507 : f32 to vector<1x1xf32>
      %add3A_556 = arith.constant 1536 : i32
      %add3A_557 = arith.addi %add3A_556, %scan3A_85 : i32
      %swap3A_558 = arith.index_cast %add3A_557 : i32 to index
      %swap3A_559 = arith.constant 1 : index
      %swap3A_560 = vector.load %arg2[%swap3A_558, %swap3A_559] : memref<2048x3xf32, #tpu.memory_space<vmem>>, vector<1x1xf32>
      tpu.vector_store %arg2[%swap3A_558, %swap3A_559], %broadcast_in_dim3A_555 {strides = array<i32>} : memref<2048x3xf32, #tpu.memory_space<vmem>>, vector<1x1xf32>,
      %broadcast_in_dim3A_561 = vector.broadcast %reduce_sum3A_515 : f32 to vector<1x1xf32>
      %add3A_562 = arith.constant 1536 : i32
      %add3A_563 = arith.addi %add3A_562, %scan3A_85 : i32
      %swap3A_564 = arith.index_cast %add3A_563 : i32 to index
      %swap3A_565 = arith.constant 2 : index
      %swap3A_566 = vector.load %arg2[%swap3A_564, %swap3A_565] : memref<2048x3xf32, #tpu.memory_space<vmem>>, vector<1x1xf32>
      tpu.vector_store %arg2[%swap3A_564, %swap3A_565], %broadcast_in_dim3A_561 {strides = array<i32>} : memref<2048x3xf32, #tpu.memory_space<vmem>>, vector<1x1xf32>,
      scf.yield %min3A, %min3A_283, %min3A_405, %min3A_527, %reduce_min3A_177, %reduce_min3A_298, %reduce_min3A_420, %reduce_min3A_542 : vector<64x128xf32>, vector<64x128xf32>, vector<64x128xf32>, vector<64x128xf32>, i32, i32, i32, i32
    }
    %scan3A_84 = arith.constant 512 : i32
    return
  }
}

module attributes {stable_mosaic.version = 14 : i64} {
  func.func @_bq_body(%arg0: i32, %arg1: i32, %arg2: memref<1x3x8192xf32, #tpu.memory_space<vmem>>, %arg3: memref<64x3xf32, #tpu.memory_space<vmem>>, %arg4: memref<64x16xi32, #tpu.memory_space<vmem>>) attributes {dimension_semantics = [#tpu.dimension_semantics<parallel>, #tpu.dimension_semantics<parallel>], iteration_bounds = array<i64: 4, 8>, scalar_prefetch = 0 : i64, scratch_operands = 0 : i64, tpu.core_type = #tpu.core_type<tc>, window_params = [{transform_indices = @transform_0, window_bounds = array<i64: 1, 3, 8192>}, {transform_indices = @transform_1, window_bounds = array<i64: 64, 3>}, {transform_indices = @transform_2, window_bounds = array<i64: 64, 16>}]} {
    %get3A = arith.constant 0 : index
    %get3A_0 = arith.constant 0 : index
    %get3A_1 = arith.constant 0 : index
    %get3A_2 = vector.load %arg2[%get3A, %get3A_0, %get3A_1] : memref<1x3x8192xf32, #tpu.memory_space<vmem>>, vector<1x1x8192xf32>
    %get3A_3 = vector.shape_cast %get3A_2 : vector<1x1x8192xf32> to vector<1x8192xf32>
    %get3A_4 = arith.constant 0 : index
    %get3A_5 = arith.constant 1 : index
    %get3A_6 = arith.constant 0 : index
    %get3A_7 = vector.load %arg2[%get3A_4, %get3A_5, %get3A_6] : memref<1x3x8192xf32, #tpu.memory_space<vmem>>, vector<1x1x8192xf32>
    %get3A_8 = vector.shape_cast %get3A_7 : vector<1x1x8192xf32> to vector<1x8192xf32>
    %get3A_9 = arith.constant 0 : index
    %get3A_10 = arith.constant 2 : index
    %get3A_11 = arith.constant 0 : index
    %get3A_12 = vector.load %arg2[%get3A_9, %get3A_10, %get3A_11] : memref<1x3x8192xf32, #tpu.memory_space<vmem>>, vector<1x1x8192xf32>
    %get3A_13 = vector.shape_cast %get3A_12 : vector<1x1x8192xf32> to vector<1x8192xf32>
    %mul3A = arith.mulf %get3A_3, %get3A_3 : vector<1x8192xf32>
    %mul3A_14 = arith.mulf %get3A_8, %get3A_8 : vector<1x8192xf32>
    %add3A = arith.addf %mul3A, %mul3A_14 : vector<1x8192xf32>
    %mul3A_15 = arith.mulf %get3A_13, %get3A_13 : vector<1x8192xf32>
    %add3A_16 = arith.addf %add3A, %mul3A_15 : vector<1x8192xf32>
    %get3A_17 = arith.constant 0 : index
    %get3A_18 = arith.constant 0 : index
    %get3A_19 = vector.load %arg3[%get3A_17, %get3A_18] : memref<64x3xf32, #tpu.memory_space<vmem>>, vector<64x1xf32>
    %get3A_20 = arith.constant 0 : index
    %get3A_21 = arith.constant 1 : index
    %get3A_22 = vector.load %arg3[%get3A_20, %get3A_21] : memref<64x3xf32, #tpu.memory_space<vmem>>, vector<64x1xf32>
    %get3A_23 = arith.constant 0 : index
    %get3A_24 = arith.constant 2 : index
    %get3A_25 = vector.load %arg3[%get3A_23, %get3A_24] : memref<64x3xf32, #tpu.memory_space<vmem>>, vector<64x1xf32>
    %mul3A_26 = arith.mulf %get3A_19, %get3A_19 : vector<64x1xf32>
    %mul3A_27 = arith.mulf %get3A_22, %get3A_22 : vector<64x1xf32>
    %add3A_28 = arith.addf %mul3A_26, %mul3A_27 : vector<64x1xf32>
    %mul3A_29 = arith.mulf %get3A_25, %get3A_25 : vector<64x1xf32>
    %add3A_30 = arith.addf %add3A_28, %mul3A_29 : vector<64x1xf32>
    %get3A_31 = arith.constant 0 : index
    %get3A_32 = arith.constant 0 : index
    %get3A_33 = vector.load %arg3[%get3A_31, %get3A_32] : memref<64x3xf32, #tpu.memory_space<vmem>>, vector<64x3xf32>
    %get3A_34 = arith.constant 0 : index
    %get3A_35 = arith.constant 0 : index
    %get3A_36 = arith.constant 0 : index
    %get3A_37 = vector.load %arg2[%get3A_34, %get3A_35, %get3A_36] : memref<1x3x8192xf32, #tpu.memory_space<vmem>>, vector<1x3x8192xf32>
    %get3A_38 = vector.shape_cast %get3A_37 : vector<1x3x8192xf32> to vector<3x8192xf32>
    %dot_general3A = arith.constant dense<0.000000e+00> : vector<64x8192xf32>
    %dot_general3A_39 = tpu.matmul %get3A_33, %get3A_38, %dot_general3A {dimension_numbers = #tpu.dot_dimension_numbers<[1], [0], [0], [1], [0, 0, 1, 1], [], []>, transpose_lhs_hint = false} : vector<64x3xf32>, vector<3x8192xf32>, vector<64x8192xf32> -> vector<64x8192xf32>
    %add3A_40 = vector.broadcast %add3A_30 : vector<64x1xf32> to vector<64x8192xf32>
    %add3A_41 = vector.broadcast %add3A_16 : vector<1x8192xf32> to vector<64x8192xf32>
    %add3A_42 = arith.addf %add3A_40, %add3A_41 : vector<64x8192xf32>
    %mul3A_43 = arith.constant 2.000000e+00 : f32
    %mul3A_44 = vector.broadcast %mul3A_43 : f32 to vector<64x8192xf32>
    %mul3A_45 = arith.mulf %mul3A_44, %dot_general3A_39 : vector<64x8192xf32>
    %sub3A = arith.subf %add3A_42, %mul3A_45 : vector<64x8192xf32>
    %iota3A = tpu.iota {dimensions = array<i32: 1>} : vector<64x8192xi32>
    %le3A = arith.constant 4.000000e-02 : f32
    %le3A_46 = vector.broadcast %le3A : f32 to vector<64x8192xf32>
    %le3A_47 = arith.cmpf ole, %sub3A, %le3A_46 : vector<64x8192xf32>
    %jit3A = arith.constant 8192 : i32
    %broadcast_in_dim3A = vector.broadcast %jit3A : i32 to vector<64x8192xi32>
    %select_n3A = arith.select %le3A_47, %iota3A, %broadcast_in_dim3A : vector<64x8192xi1>, vector<64x8192xi32>
    %iota3A_48 = tpu.iota {dimensions = array<i32: 1>} : vector<64x16xi32>
    %broadcast_in_dim3A_49 = arith.constant 0 : i32
    %broadcast_in_dim3A_50 = vector.broadcast %broadcast_in_dim3A_49 : i32 to vector<64x16xi32>
    %scan3A = arith.constant 0 : i32
    %scan3A_51 = arith.constant 16 : i32
    %scan3A_52 = arith.addi %scan3A, %scan3A_51 : i32
    %scan3A_53 = arith.constant 1 : i32
    %scan3A_54:2 = scf.for %scan3A_67 = %scan3A to %scan3A_52 step %scan3A_53 iter_args(%scan3A_68 = %select_n3A, %scan3A_69 = %broadcast_in_dim3A_50) -> (vector<64x8192xi32>, vector<64x16xi32>)  : i32 {
      %reduce_min3A = arith.constant dense<2147483647> : vector<64xi32>
      %reduce_min3A_70 = vector.multi_reduction <minsi>, %scan3A_68, %reduce_min3A [1] : vector<64x8192xi32> to vector<64xi32>
      %broadcast_in_dim3A_71 = vector.shape_cast %reduce_min3A_70 : vector<64xi32> to vector<64x1xi32>
      %eq3A_72 = vector.broadcast %scan3A_67 : i32 to vector<64x16xi32>
      %eq3A_73 = arith.cmpi eq, %iota3A_48, %eq3A_72 : vector<64x16xi32>
      %broadcast_in_dim3A_74 = vector.shape_cast %broadcast_in_dim3A_71 : vector<64x1xi32> to vector<64x1xi32>
      %broadcast_in_dim3A_75 = vector.broadcast %broadcast_in_dim3A_74 : vector<64x1xi32> to vector<64x16xi32>
      %select_n3A_76 = arith.select %eq3A_73, %broadcast_in_dim3A_75, %scan3A_69 : vector<64x16xi1>, vector<64x16xi32>
      %eq3A_77 = vector.broadcast %broadcast_in_dim3A_71 : vector<64x1xi32> to vector<64x8192xi32>
      %eq3A_78 = arith.cmpi eq, %scan3A_68, %eq3A_77 : vector<64x8192xi32>
      %jit3A_79 = arith.constant 8192 : i32
      %broadcast_in_dim3A_80 = vector.broadcast %jit3A_79 : i32 to vector<64x8192xi32>
      %select_n3A_81 = arith.select %eq3A_78, %broadcast_in_dim3A_80, %scan3A_68 : vector<64x8192xi1>, vector<64x8192xi32>
      scf.yield %select_n3A_81, %select_n3A_76 : vector<64x8192xi32>, vector<64x16xi32>
    }
    %scan3A_55 = arith.constant 16 : i32
    %slice3A = vector.extract_strided_slice %scan3A_54#1 {offsets = [0, 0], sizes = [64, 1], strides = [1, 1]} : vector<64x16xi32> to vector<64x1xi32>
    %eq3A = arith.constant 8192 : i32
    %eq3A_56 = vector.broadcast %eq3A : i32 to vector<64x16xi32>
    %eq3A_57 = arith.cmpi eq, %scan3A_54#1, %eq3A_56 : vector<64x16xi32>
    %broadcast_in_dim3A_58 = vector.shape_cast %slice3A : vector<64x1xi32> to vector<64x1xi32>
    %broadcast_in_dim3A_59 = vector.broadcast %broadcast_in_dim3A_58 : vector<64x1xi32> to vector<64x16xi32>
    %select_n3A_60 = arith.select %eq3A_57, %broadcast_in_dim3A_59, %scan3A_54#1 : vector<64x16xi1>, vector<64x16xi32>
    %mul3A_61 = arith.constant 8192 : i32
    %mul3A_62 = arith.muli %arg0, %mul3A_61 : i32
    %add3A_63 = vector.broadcast %mul3A_62 : i32 to vector<64x16xi32>
    %add3A_64 = arith.addi %select_n3A_60, %add3A_63 : vector<64x16xi32>
    %swap3A = arith.constant 0 : index
    %swap3A_65 = arith.constant 0 : index
    %swap3A_66 = vector.load %arg4[%swap3A, %swap3A_65] : memref<64x16xi32, #tpu.memory_space<vmem>>, vector<64x16xi32>
    tpu.vector_store %arg4[%swap3A, %swap3A_65], %add3A_64 {strides = array<i32>} : memref<64x16xi32, #tpu.memory_space<vmem>>, vector<64x16xi32>,
    return
  }
  func.func @transform_0(%arg0: i32, %arg1: i32) -> (i32, i32, i32) {
    %c0_i32 = arith.constant 0 : i32
    %c0_i32_0 = arith.constant 0 : i32
    %c0_i32_1 = arith.constant 0 : i32
    return %arg0, %c0_i32, %c0_i32_0 : i32, i32, i32
  }
  func.func @transform_1(%arg0: i32, %arg1: i32) -> (i32, i32) {
    %mul3A = arith.constant 8 : i32
    %mul3A_0 = arith.muli %arg0, %mul3A : i32
    %add3A = arith.addi %mul3A_0, %arg1 : i32
    %c0_i32 = arith.constant 0 : i32
    %c0_i32_1 = arith.constant 0 : i32
    return %add3A, %c0_i32 : i32, i32
  }
  func.func @transform_2(%arg0: i32, %arg1: i32) -> (i32, i32) {
    %mul3A = arith.constant 8 : i32
    %mul3A_0 = arith.muli %arg0, %mul3A : i32
    %add3A = arith.addi %mul3A_0, %arg1 : i32
    %c0_i32 = arith.constant 0 : i32
    %c0_i32_1 = arith.constant 0 : i32
    return %add3A, %c0_i32 : i32, i32
  }
}

module attributes {stable_mosaic.version = 14 : i64} {
  func.func @_dense_body(%arg0: i32, %arg1: i32, %arg2: memref<1x2048x128xf32, #tpu.memory_space<vmem>>, %arg3: memref<1x2048x3xf32, #tpu.memory_space<vmem>>, %arg4: memref<1x128x64xf32, #tpu.memory_space<vmem>>, %arg5: memref<1x128x3xf32, #tpu.memory_space<vmem>>, %arg6: memref<64x64xf32, #tpu.memory_space<vmem>>, %arg7: memref<1x64xf32, #tpu.memory_space<vmem>>, %arg8: memref<64x64xf32, #tpu.memory_space<vmem>>, %arg9: memref<1x64xf32, #tpu.memory_space<vmem>>, %arg10: memref<64x128xf32, #tpu.memory_space<vmem>>, %arg11: memref<1x128xf32, #tpu.memory_space<vmem>>, %arg12: memref<3x3xf32, #tpu.memory_space<vmem>>, %arg13: memref<1x3xf32, #tpu.memory_space<vmem>>, %arg14: memref<1x3xf32, #tpu.memory_space<vmem>>, %arg15: memref<1x3xf32, #tpu.memory_space<vmem>>, %arg16: memref<3x128xf32, #tpu.memory_space<vmem>>, %arg17: memref<1x128xf32, #tpu.memory_space<vmem>>, %arg18: memref<3x3xf32, #tpu.memory_space<vmem>>, %arg19: memref<1x3xf32, #tpu.memory_space<vmem>>, %arg20: memref<1x3xf32, #tpu.memory_space<vmem>>, %arg21: memref<1x3xf32, #tpu.memory_space<vmem>>, %arg22: memref<3x64xf32, #tpu.memory_space<vmem>>, %arg23: memref<1x64xf32, #tpu.memory_space<vmem>>, %arg24: memref<1x64xf32, #tpu.memory_space<vmem>>, %arg25: memref<1x64xf32, #tpu.memory_space<vmem>>, %arg26: memref<64x16xf32, #tpu.memory_space<vmem>>, %arg27: memref<1x16xf32, #tpu.memory_space<vmem>>, %arg28: memref<1x16xf32, #tpu.memory_space<vmem>>, %arg29: memref<1x16xf32, #tpu.memory_space<vmem>>, %arg30: memref<16x16xf32, #tpu.memory_space<vmem>>, %arg31: memref<1x16xf32, #tpu.memory_space<vmem>>, %arg32: memref<1x2048x16xf32, #tpu.memory_space<vmem>>, %arg33: memref<1x2048x128xf32, #tpu.memory_space<vmem>>) attributes {dimension_semantics = [#tpu.dimension_semantics<parallel>, #tpu.dimension_semantics<parallel>], iteration_bounds = array<i64: 4, 4>, scalar_prefetch = 0 : i64, scratch_operands = 0 : i64, tpu.core_type = #tpu.core_type<tc>, window_params = [{transform_indices = @transform_0, window_bounds = array<i64: 1, 2048, 128>}, {transform_indices = @transform_1, window_bounds = array<i64: 1, 2048, 3>}, {transform_indices = @transform_2, window_bounds = array<i64: 1, 128, 64>}, {transform_indices = @transform_3, window_bounds = array<i64: 1, 128, 3>}, {pipeline_mode = #tpu.pipeline_mode<synchronous>, transform_indices = @transform_4, window_bounds = array<i64: 64, 64>}, {pipeline_mode = #tpu.pipeline_mode<synchronous>, transform_indices = @transform_5, window_bounds = array<i64: 1, 64>}, {pipeline_mode = #tpu.pipeline_mode<synchronous>, transform_indices = @transform_6, window_bounds = array<i64: 64, 64>}, {pipeline_mode = #tpu.pipeline_mode<synchronous>, transform_indices = @transform_7, window_bounds = array<i64: 1, 64>}, {pipeline_mode = #tpu.pipeline_mode<synchronous>, transform_indices = @transform_8, window_bounds = array<i64: 64, 128>}, {pipeline_mode = #tpu.pipeline_mode<synchronous>, transform_indices = @transform_9, window_bounds = array<i64: 1, 128>}, {pipeline_mode = #tpu.pipeline_mode<synchronous>, transform_indices = @transform_10, window_bounds = array<i64: 3, 3>}, {pipeline_mode = #tpu.pipeline_mode<synchronous>, transform_indices = @transform_11, window_bounds = array<i64: 1, 3>}, {pipeline_mode = #tpu.pipeline_mode<synchronous>, transform_indices = @transform_12, window_bounds = array<i64: 1, 3>}, {pipeline_mode = #tpu.pipeline_mode<synchronous>, transform_indices = @transform_13, window_bounds = array<i64: 1, 3>}, {pipeline_mode = #tpu.pipeline_mode<synchronous>, transform_indices = @transform_14, window_bounds = array<i64: 3, 128>}, {pipeline_mode = #tpu.pipeline_mode<synchronous>, transform_indices = @transform_15, window_bounds = array<i64: 1, 128>}, {pipeline_mode = #tpu.pipeline_mode<synchronous>, transform_indices = @transform_16, window_bounds = array<i64: 3, 3>}, {pipeline_mode = #tpu.pipeline_mode<synchronous>, transform_indices = @transform_17, window_bounds = array<i64: 1, 3>}, {pipeline_mode = #tpu.pipeline_mode<synchronous>, transform_indices = @transform_18, window_bounds = array<i64: 1, 3>}, {pipeline_mode = #tpu.pipeline_mode<synchronous>, transform_indices = @transform_19, window_bounds = array<i64: 1, 3>}, {pipeline_mode = #tpu.pipeline_mode<synchronous>, transform_indices = @transform_20, window_bounds = array<i64: 3, 64>}, {pipeline_mode = #tpu.pipeline_mode<synchronous>, transform_indices = @transform_21, window_bounds = array<i64: 1, 64>}, {pipeline_mode = #tpu.pipeline_mode<synchronous>, transform_indices = @transform_22, window_bounds = array<i64: 1, 64>}, {pipeline_mode = #tpu.pipeline_mode<synchronous>, transform_indices = @transform_23, window_bounds = array<i64: 1, 64>}, {pipeline_mode = #tpu.pipeline_mode<synchronous>, transform_indices = @transform_24, window_bounds = array<i64: 64, 16>}, {pipeline_mode = #tpu.pipeline_mode<synchronous>, transform_indices = @transform_25, window_bounds = array<i64: 1, 16>}, {pipeline_mode = #tpu.pipeline_mode<synchronous>, transform_indices = @transform_26, window_bounds = array<i64: 1, 16>}, {pipeline_mode = #tpu.pipeline_mode<synchronous>, transform_indices = @transform_27, window_bounds = array<i64: 1, 16>}, {pipeline_mode = #tpu.pipeline_mode<synchronous>, transform_indices = @transform_28, window_bounds = array<i64: 16, 16>}, {pipeline_mode = #tpu.pipeline_mode<synchronous>, transform_indices = @transform_29, window_bounds = array<i64: 1, 16>}, {transform_indices = @transform_30, window_bounds = array<i64: 1, 2048, 16>}, {transform_indices = @transform_31, window_bounds = array<i64: 1, 2048, 128>}]} {
    %get3A = arith.constant 0 : index
    %get3A_0 = arith.constant 0 : index
    %get3A_1 = arith.constant 0 : index
    %get3A_2 = vector.load %arg2[%get3A, %get3A_0, %get3A_1] : memref<1x2048x128xf32, #tpu.memory_space<vmem>>, vector<1x2048x128xf32>
    %get3A_3 = vector.shape_cast %get3A_2 : vector<1x2048x128xf32> to vector<2048x128xf32>
    %slice3A = vector.extract_strided_slice %get3A_3 {offsets = [0, 0], sizes = [2048, 64], strides = [1, 1]} : vector<2048x128xf32> to vector<2048x64xf32>
    %slice3A_4 = vector.extract_strided_slice %get3A_3 {offsets = [0, 64], sizes = [2048, 3], strides = [1, 1]} : vector<2048x128xf32> to vector<2048x3xf32>
    %get3A_5 = arith.constant 0 : index
    %get3A_6 = arith.constant 0 : index
    %get3A_7 = arith.constant 0 : index
    %get3A_8 = vector.load %arg3[%get3A_5, %get3A_6, %get3A_7] : memref<1x2048x3xf32, #tpu.memory_space<vmem>>, vector<1x2048x3xf32>
    %get3A_9 = vector.shape_cast %get3A_8 : vector<1x2048x3xf32> to vector<2048x3xf32>
    %sub3A = arith.subf %slice3A_4, %get3A_9 : vector<2048x3xf32>
    %get3A_10 = arith.constant 0 : index
    %get3A_11 = arith.constant 0 : index
    %get3A_12 = vector.load %arg8[%get3A_10, %get3A_11] : memref<64x64xf32, #tpu.memory_space<vmem>>, vector<64x64xf32>
    %dot_general3A = arith.constant dense<0.000000e+00> : vector<2048x64xf32>
    %dot_general3A_13 = tpu.matmul %slice3A, %get3A_12, %dot_general3A {dimension_numbers = #tpu.dot_dimension_numbers<[1], [0], [0], [1], [0, 0, 1, 1], [], []>, transpose_lhs_hint = false} : vector<2048x64xf32>, vector<64x64xf32>, vector<2048x64xf32> -> vector<2048x64xf32>
    %get3A_14 = arith.constant 0 : index
    %get3A_15 = arith.constant 0 : index
    %get3A_16 = vector.load %arg9[%get3A_14, %get3A_15] : memref<1x64xf32, #tpu.memory_space<vmem>>, vector<1x64xf32>
    %add3A = vector.broadcast %get3A_16 : vector<1x64xf32> to vector<2048x64xf32>
    %add3A_17 = arith.addf %dot_general3A_13, %add3A : vector<2048x64xf32>
    %get3A_18 = arith.constant 0 : index
    %get3A_19 = arith.constant 0 : index
    %get3A_20 = vector.load %arg10[%get3A_18, %get3A_19] : memref<64x128xf32, #tpu.memory_space<vmem>>, vector<64x128xf32>
    %dot_general3A_21 = arith.constant dense<0.000000e+00> : vector<2048x128xf32>
    %dot_general3A_22 = tpu.matmul %slice3A, %get3A_20, %dot_general3A_21 {dimension_numbers = #tpu.dot_dimension_numbers<[1], [0], [0], [1], [0, 0, 1, 1], [], []>, transpose_lhs_hint = false} : vector<2048x64xf32>, vector<64x128xf32>, vector<2048x128xf32> -> vector<2048x128xf32>
    %get3A_23 = arith.constant 0 : index
    %get3A_24 = arith.constant 0 : index
    %get3A_25 = vector.load %arg11[%get3A_23, %get3A_24] : memref<1x128xf32, #tpu.memory_space<vmem>>, vector<1x128xf32>
    %add3A_26 = vector.broadcast %get3A_25 : vector<1x128xf32> to vector<2048x128xf32>
    %add3A_27 = arith.addf %dot_general3A_22, %add3A_26 : vector<2048x128xf32>
    %get3A_28 = arith.constant 0 : index
    %get3A_29 = arith.constant 0 : index
    %get3A_30 = vector.load %arg12[%get3A_28, %get3A_29] : memref<3x3xf32, #tpu.memory_space<vmem>>, vector<3x3xf32>
    %dot_general3A_31 = arith.constant dense<0.000000e+00> : vector<2048x3xf32>
    %dot_general3A_32 = tpu.matmul %sub3A, %get3A_30, %dot_general3A_31 {dimension_numbers = #tpu.dot_dimension_numbers<[1], [0], [0], [1], [0, 0, 1, 1], [], []>, transpose_lhs_hint = false} : vector<2048x3xf32>, vector<3x3xf32>, vector<2048x3xf32> -> vector<2048x3xf32>
    %get3A_33 = arith.constant 0 : index
    %get3A_34 = arith.constant 0 : index
    %get3A_35 = vector.load %arg13[%get3A_33, %get3A_34] : memref<1x3xf32, #tpu.memory_space<vmem>>, vector<1x3xf32>
    %add3A_36 = vector.broadcast %get3A_35 : vector<1x3xf32> to vector<2048x3xf32>
    %add3A_37 = arith.addf %dot_general3A_32, %add3A_36 : vector<2048x3xf32>
    %get3A_38 = arith.constant 0 : index
    %get3A_39 = arith.constant 0 : index
    %get3A_40 = vector.load %arg14[%get3A_38, %get3A_39] : memref<1x3xf32, #tpu.memory_space<vmem>>, vector<1x3xf32>
    %get3A_41 = arith.constant 0 : index
    %get3A_42 = arith.constant 0 : index
    %get3A_43 = vector.load %arg15[%get3A_41, %get3A_42] : memref<1x3xf32, #tpu.memory_space<vmem>>, vector<1x3xf32>
    %reduce_sum3A = arith.constant dense<0.000000e+00> : vector<2048xf32>
    %reduce_sum3A_44 = vector.multi_reduction <add>, %add3A_37, %reduce_sum3A [1] : vector<2048x3xf32> to vector<2048xf32>
    %broadcast_in_dim3A = vector.shape_cast %reduce_sum3A_44 : vector<2048xf32> to vector<2048x1xf32>
    %div3A = arith.constant 3.000000e+00 : f32
    %div3A_45 = vector.broadcast %div3A : f32 to vector<2048x1xf32>
    %div3A_46 = arith.divf %broadcast_in_dim3A, %div3A_45 : vector<2048x1xf32>
    %sub3A_47 = vector.broadcast %div3A_46 : vector<2048x1xf32> to vector<2048x3xf32>
    %sub3A_48 = arith.subf %add3A_37, %sub3A_47 : vector<2048x3xf32>
    %integer_pow3A = arith.mulf %sub3A_48, %sub3A_48 : vector<2048x3xf32>
    %reduce_sum3A_49 = arith.constant dense<0.000000e+00> : vector<2048xf32>
    %reduce_sum3A_50 = vector.multi_reduction <add>, %integer_pow3A, %reduce_sum3A_49 [1] : vector<2048x3xf32> to vector<2048xf32>
    %broadcast_in_dim3A_51 = vector.shape_cast %reduce_sum3A_50 : vector<2048xf32> to vector<2048x1xf32>
    %div3A_52 = arith.constant 3.000000e+00 : f32
    %div3A_53 = vector.broadcast %div3A_52 : f32 to vector<2048x1xf32>
    %div3A_54 = arith.divf %broadcast_in_dim3A_51, %div3A_53 : vector<2048x1xf32>
    %sub3A_55 = vector.broadcast %div3A_46 : vector<2048x1xf32> to vector<2048x3xf32>
    %sub3A_56 = arith.subf %add3A_37, %sub3A_55 : vector<2048x3xf32>
    %add3A_57 = arith.constant 9.99999974E-6 : f32
    %add3A_58 = vector.broadcast %add3A_57 : f32 to vector<2048x1xf32>
    %add3A_59 = arith.addf %div3A_54, %add3A_58 : vector<2048x1xf32>
    %sqrt3A = math.sqrt %add3A_59 : vector<2048x1xf32>
    %div3A_60 = vector.broadcast %sqrt3A : vector<2048x1xf32> to vector<2048x3xf32>
    %div3A_61 = arith.divf %sub3A_56, %div3A_60 : vector<2048x3xf32>
    %mul3A = vector.broadcast %get3A_40 : vector<1x3xf32> to vector<2048x3xf32>
    %mul3A_62 = arith.mulf %div3A_61, %mul3A : vector<2048x3xf32>
    %add3A_63 = vector.broadcast %get3A_43 : vector<1x3xf32> to vector<2048x3xf32>
    %add3A_64 = arith.addf %mul3A_62, %add3A_63 : vector<2048x3xf32>
    %max3A = arith.constant 0.000000e+00 : f32
    %max3A_65 = vector.broadcast %max3A : f32 to vector<2048x3xf32>
    %max3A_66 = arith.maximumf %add3A_64, %max3A_65 : vector<2048x3xf32>
    %get3A_67 = arith.constant 0 : index
    %get3A_68 = arith.constant 0 : index
    %get3A_69 = vector.load %arg16[%get3A_67, %get3A_68] : memref<3x128xf32, #tpu.memory_space<vmem>>, vector<3x128xf32>
    %dot_general3A_70 = arith.constant dense<0.000000e+00> : vector<2048x128xf32>
    %dot_general3A_71 = tpu.matmul %max3A_66, %get3A_69, %dot_general3A_70 {dimension_numbers = #tpu.dot_dimension_numbers<[1], [0], [0], [1], [0, 0, 1, 1], [], []>, transpose_lhs_hint = false} : vector<2048x3xf32>, vector<3x128xf32>, vector<2048x128xf32> -> vector<2048x128xf32>
    %get3A_72 = arith.constant 0 : index
    %get3A_73 = arith.constant 0 : index
    %get3A_74 = vector.load %arg17[%get3A_72, %get3A_73] : memref<1x128xf32, #tpu.memory_space<vmem>>, vector<1x128xf32>
    %add3A_75 = vector.broadcast %get3A_74 : vector<1x128xf32> to vector<2048x128xf32>
    %add3A_76 = arith.addf %dot_general3A_71, %add3A_75 : vector<2048x128xf32>
    %slice3A_77 = vector.extract_strided_slice %add3A_76 {offsets = [0, 0], sizes = [2048, 64], strides = [1, 1]} : vector<2048x128xf32> to vector<2048x64xf32>
    %slice3A_78 = vector.extract_strided_slice %add3A_76 {offsets = [0, 64], sizes = [2048, 64], strides = [1, 1]} : vector<2048x128xf32> to vector<2048x64xf32>
    %add3A_79 = arith.addf %slice3A_77, %slice3A_78 : vector<2048x64xf32>
    %get3A_80 = arith.constant 0 : index
    %get3A_81 = arith.constant 0 : index
    %get3A_82 = arith.constant 0 : index
    %get3A_83 = vector.load %arg5[%get3A_80, %get3A_81, %get3A_82] : memref<1x128x3xf32, #tpu.memory_space<vmem>>, vector<1x128x3xf32>
    %get3A_84 = vector.shape_cast %get3A_83 : vector<1x128x3xf32> to vector<128x3xf32>
    %get3A_85 = arith.constant 0 : index
    %get3A_86 = arith.constant 0 : index
    %get3A_87 = vector.load %arg18[%get3A_85, %get3A_86] : memref<3x3xf32, #tpu.memory_space<vmem>>, vector<3x3xf32>
    %dot_general3A_88 = arith.constant dense<0.000000e+00> : vector<128x3xf32>
    %dot_general3A_89 = tpu.matmul %get3A_84, %get3A_87, %dot_general3A_88 {dimension_numbers = #tpu.dot_dimension_numbers<[1], [0], [0], [1], [0, 0, 1, 1], [], []>, transpose_lhs_hint = false} : vector<128x3xf32>, vector<3x3xf32>, vector<128x3xf32> -> vector<128x3xf32>
    %get3A_90 = arith.constant 0 : index
    %get3A_91 = arith.constant 0 : index
    %get3A_92 = vector.load %arg19[%get3A_90, %get3A_91] : memref<1x3xf32, #tpu.memory_space<vmem>>, vector<1x3xf32>
    %add3A_93 = vector.broadcast %get3A_92 : vector<1x3xf32> to vector<128x3xf32>
    %add3A_94 = arith.addf %dot_general3A_89, %add3A_93 : vector<128x3xf32>
    %get3A_95 = arith.constant 0 : index
    %get3A_96 = arith.constant 0 : index
    %get3A_97 = vector.load %arg20[%get3A_95, %get3A_96] : memref<1x3xf32, #tpu.memory_space<vmem>>, vector<1x3xf32>
    %get3A_98 = arith.constant 0 : index
    %get3A_99 = arith.constant 0 : index
    %get3A_100 = vector.load %arg21[%get3A_98, %get3A_99] : memref<1x3xf32, #tpu.memory_space<vmem>>, vector<1x3xf32>
    %reduce_sum3A_101 = arith.constant dense<0.000000e+00> : vector<128xf32>
    %reduce_sum3A_102 = vector.multi_reduction <add>, %add3A_94, %reduce_sum3A_101 [1] : vector<128x3xf32> to vector<128xf32>
    %broadcast_in_dim3A_103 = vector.shape_cast %reduce_sum3A_102 : vector<128xf32> to vector<128x1xf32>
    %div3A_104 = arith.constant 3.000000e+00 : f32
    %div3A_105 = vector.broadcast %div3A_104 : f32 to vector<128x1xf32>
    %div3A_106 = arith.divf %broadcast_in_dim3A_103, %div3A_105 : vector<128x1xf32>
    %sub3A_107 = vector.broadcast %div3A_106 : vector<128x1xf32> to vector<128x3xf32>
    %sub3A_108 = arith.subf %add3A_94, %sub3A_107 : vector<128x3xf32>
    %integer_pow3A_109 = arith.mulf %sub3A_108, %sub3A_108 : vector<128x3xf32>
    %reduce_sum3A_110 = arith.constant dense<0.000000e+00> : vector<128xf32>
    %reduce_sum3A_111 = vector.multi_reduction <add>, %integer_pow3A_109, %reduce_sum3A_110 [1] : vector<128x3xf32> to vector<128xf32>
    %broadcast_in_dim3A_112 = vector.shape_cast %reduce_sum3A_111 : vector<128xf32> to vector<128x1xf32>
    %div3A_113 = arith.constant 3.000000e+00 : f32
    %div3A_114 = vector.broadcast %div3A_113 : f32 to vector<128x1xf32>
    %div3A_115 = arith.divf %broadcast_in_dim3A_112, %div3A_114 : vector<128x1xf32>
    %sub3A_116 = vector.broadcast %div3A_106 : vector<128x1xf32> to vector<128x3xf32>
    %sub3A_117 = arith.subf %add3A_94, %sub3A_116 : vector<128x3xf32>
    %add3A_118 = arith.constant 9.99999974E-6 : f32
    %add3A_119 = vector.broadcast %add3A_118 : f32 to vector<128x1xf32>
    %add3A_120 = arith.addf %div3A_115, %add3A_119 : vector<128x1xf32>
    %sqrt3A_121 = math.sqrt %add3A_120 : vector<128x1xf32>
    %div3A_122 = vector.broadcast %sqrt3A_121 : vector<128x1xf32> to vector<128x3xf32>
    %div3A_123 = arith.divf %sub3A_117, %div3A_122 : vector<128x3xf32>
    %mul3A_124 = vector.broadcast %get3A_97 : vector<1x3xf32> to vector<128x3xf32>
    %mul3A_125 = arith.mulf %div3A_123, %mul3A_124 : vector<128x3xf32>
    %add3A_126 = vector.broadcast %get3A_100 : vector<1x3xf32> to vector<128x3xf32>
    %add3A_127 = arith.addf %mul3A_125, %add3A_126 : vector<128x3xf32>
    %max3A_128 = arith.constant 0.000000e+00 : f32
    %max3A_129 = vector.broadcast %max3A_128 : f32 to vector<128x3xf32>
    %max3A_130 = arith.maximumf %add3A_127, %max3A_129 : vector<128x3xf32>
    %get3A_131 = arith.constant 0 : index
    %get3A_132 = arith.constant 0 : index
    %get3A_133 = vector.load %arg22[%get3A_131, %get3A_132] : memref<3x64xf32, #tpu.memory_space<vmem>>, vector<3x64xf32>
    %dot_general3A_134 = arith.constant dense<0.000000e+00> : vector<128x64xf32>
    %dot_general3A_135 = tpu.matmul %max3A_130, %get3A_133, %dot_general3A_134 {dimension_numbers = #tpu.dot_dimension_numbers<[1], [0], [0], [1], [0, 0, 1, 1], [], []>, transpose_lhs_hint = false} : vector<128x3xf32>, vector<3x64xf32>, vector<128x64xf32> -> vector<128x64xf32>
    %get3A_136 = arith.constant 0 : index
    %get3A_137 = arith.constant 0 : index
    %get3A_138 = vector.load %arg23[%get3A_136, %get3A_137] : memref<1x64xf32, #tpu.memory_space<vmem>>, vector<1x64xf32>
    %add3A_139 = vector.broadcast %get3A_138 : vector<1x64xf32> to vector<128x64xf32>
    %add3A_140 = arith.addf %dot_general3A_135, %add3A_139 : vector<128x64xf32>
    %get3A_141 = arith.constant 0 : index
    %get3A_142 = arith.constant 0 : index
    %get3A_143 = arith.constant 0 : index
    %get3A_144 = vector.load %arg4[%get3A_141, %get3A_142, %get3A_143] : memref<1x128x64xf32, #tpu.memory_space<vmem>>, vector<1x128x64xf32>
    %get3A_145 = vector.shape_cast %get3A_144 : vector<1x128x64xf32> to vector<128x64xf32>
    %get3A_146 = arith.constant 0 : index
    %get3A_147 = arith.constant 0 : index
    %get3A_148 = vector.load %arg6[%get3A_146, %get3A_147] : memref<64x64xf32, #tpu.memory_space<vmem>>, vector<64x64xf32>
    %dot_general3A_149 = arith.constant dense<0.000000e+00> : vector<128x64xf32>
    %dot_general3A_150 = tpu.matmul %get3A_145, %get3A_148, %dot_general3A_149 {dimension_numbers = #tpu.dot_dimension_numbers<[1], [0], [0], [1], [0, 0, 1, 1], [], []>, transpose_lhs_hint = false} : vector<128x64xf32>, vector<64x64xf32>, vector<128x64xf32> -> vector<128x64xf32>
    %get3A_151 = arith.constant 0 : index
    %get3A_152 = arith.constant 0 : index
    %get3A_153 = vector.load %arg7[%get3A_151, %get3A_152] : memref<1x64xf32, #tpu.memory_space<vmem>>, vector<1x64xf32>
    %add3A_154 = vector.broadcast %get3A_153 : vector<1x64xf32> to vector<128x64xf32>
    %add3A_155 = arith.addf %dot_general3A_150, %add3A_154 : vector<128x64xf32>
    %add3A_156 = arith.addf %add3A_155, %add3A_140 : vector<128x64xf32>
    %broadcast_in_dim3A_157 = vector.shape_cast %add3A_156 : vector<128x64xf32> to vector<128x1x64xf32>
    %broadcast_in_dim3A_158 = vector.shape_cast %broadcast_in_dim3A_157 : vector<128x1x64xf32> to vector<128x1x64xf32>
    %broadcast_in_dim3A_159 = vector.broadcast %broadcast_in_dim3A_158 : vector<128x1x64xf32> to vector<128x16x64xf32>
    %reshape3A = vector.shape_cast %broadcast_in_dim3A_159 : vector<128x16x64xf32> to vector<2048x64xf32>
    %sub3A_160 = arith.subf %add3A_17, %reshape3A : vector<2048x64xf32>
    %add3A_161 = arith.addf %sub3A_160, %add3A_79 : vector<2048x64xf32>
    %get3A_162 = arith.constant 0 : index
    %get3A_163 = arith.constant 0 : index
    %get3A_164 = vector.load %arg24[%get3A_162, %get3A_163] : memref<1x64xf32, #tpu.memory_space<vmem>>, vector<1x64xf32>
    %get3A_165 = arith.constant 0 : index
    %get3A_166 = arith.constant 0 : index
    %get3A_167 = vector.load %arg25[%get3A_165, %get3A_166] : memref<1x64xf32, #tpu.memory_space<vmem>>, vector<1x64xf32>
    %reduce_sum3A_168 = arith.constant dense<0.000000e+00> : vector<2048xf32>
    %reduce_sum3A_169 = vector.multi_reduction <add>, %add3A_161, %reduce_sum3A_168 [1] : vector<2048x64xf32> to vector<2048xf32>
    %broadcast_in_dim3A_170 = vector.shape_cast %reduce_sum3A_169 : vector<2048xf32> to vector<2048x1xf32>
    %div3A_171 = arith.constant 6.400000e+01 : f32
    %div3A_172 = vector.broadcast %div3A_171 : f32 to vector<2048x1xf32>
    %div3A_173 = arith.divf %broadcast_in_dim3A_170, %div3A_172 : vector<2048x1xf32>
    %sub3A_174 = vector.broadcast %div3A_173 : vector<2048x1xf32> to vector<2048x64xf32>
    %sub3A_175 = arith.subf %add3A_161, %sub3A_174 : vector<2048x64xf32>
    %integer_pow3A_176 = arith.mulf %sub3A_175, %sub3A_175 : vector<2048x64xf32>
    %reduce_sum3A_177 = arith.constant dense<0.000000e+00> : vector<2048xf32>
    %reduce_sum3A_178 = vector.multi_reduction <add>, %integer_pow3A_176, %reduce_sum3A_177 [1] : vector<2048x64xf32> to vector<2048xf32>
    %broadcast_in_dim3A_179 = vector.shape_cast %reduce_sum3A_178 : vector<2048xf32> to vector<2048x1xf32>
    %div3A_180 = arith.constant 6.400000e+01 : f32
    %div3A_181 = vector.broadcast %div3A_180 : f32 to vector<2048x1xf32>
    %div3A_182 = arith.divf %broadcast_in_dim3A_179, %div3A_181 : vector<2048x1xf32>
    %sub3A_183 = vector.broadcast %div3A_173 : vector<2048x1xf32> to vector<2048x64xf32>
    %sub3A_184 = arith.subf %add3A_161, %sub3A_183 : vector<2048x64xf32>
    %add3A_185 = arith.constant 9.99999974E-6 : f32
    %add3A_186 = vector.broadcast %add3A_185 : f32 to vector<2048x1xf32>
    %add3A_187 = arith.addf %div3A_182, %add3A_186 : vector<2048x1xf32>
    %sqrt3A_188 = math.sqrt %add3A_187 : vector<2048x1xf32>
    %div3A_189 = vector.broadcast %sqrt3A_188 : vector<2048x1xf32> to vector<2048x64xf32>
    %div3A_190 = arith.divf %sub3A_184, %div3A_189 : vector<2048x64xf32>
    %mul3A_191 = vector.broadcast %get3A_164 : vector<1x64xf32> to vector<2048x64xf32>
    %mul3A_192 = arith.mulf %div3A_190, %mul3A_191 : vector<2048x64xf32>
    %add3A_193 = vector.broadcast %get3A_167 : vector<1x64xf32> to vector<2048x64xf32>
    %add3A_194 = arith.addf %mul3A_192, %add3A_193 : vector<2048x64xf32>
    %max3A_195 = arith.constant 0.000000e+00 : f32
    %max3A_196 = vector.broadcast %max3A_195 : f32 to vector<2048x64xf32>
    %max3A_197 = arith.maximumf %add3A_194, %max3A_196 : vector<2048x64xf32>
    %get3A_198 = arith.constant 0 : index
    %get3A_199 = arith.constant 0 : index
    %get3A_200 = vector.load %arg26[%get3A_198, %get3A_199] : memref<64x16xf32, #tpu.memory_space<vmem>>, vector<64x16xf32>
    %dot_general3A_201 = arith.constant dense<0.000000e+00> : vector<2048x16xf32>
    %dot_general3A_202 = tpu.matmul %max3A_197, %get3A_200, %dot_general3A_201 {dimension_numbers = #tpu.dot_dimension_numbers<[1], [0], [0], [1], [0, 0, 1, 1], [], []>, transpose_lhs_hint = false} : vector<2048x64xf32>, vector<64x16xf32>, vector<2048x16xf32> -> vector<2048x16xf32>
    %get3A_203 = arith.constant 0 : index
    %get3A_204 = arith.constant 0 : index
    %get3A_205 = vector.load %arg27[%get3A_203, %get3A_204] : memref<1x16xf32, #tpu.memory_space<vmem>>, vector<1x16xf32>
    %add3A_206 = vector.broadcast %get3A_205 : vector<1x16xf32> to vector<2048x16xf32>
    %add3A_207 = arith.addf %dot_general3A_202, %add3A_206 : vector<2048x16xf32>
    %get3A_208 = arith.constant 0 : index
    %get3A_209 = arith.constant 0 : index
    %get3A_210 = vector.load %arg28[%get3A_208, %get3A_209] : memref<1x16xf32, #tpu.memory_space<vmem>>, vector<1x16xf32>
    %get3A_211 = arith.constant 0 : index
    %get3A_212 = arith.constant 0 : index
    %get3A_213 = vector.load %arg29[%get3A_211, %get3A_212] : memref<1x16xf32, #tpu.memory_space<vmem>>, vector<1x16xf32>
    %reduce_sum3A_214 = arith.constant dense<0.000000e+00> : vector<2048xf32>
    %reduce_sum3A_215 = vector.multi_reduction <add>, %add3A_207, %reduce_sum3A_214 [1] : vector<2048x16xf32> to vector<2048xf32>
    %broadcast_in_dim3A_216 = vector.shape_cast %reduce_sum3A_215 : vector<2048xf32> to vector<2048x1xf32>
    %div3A_217 = arith.constant 1.600000e+01 : f32
    %div3A_218 = vector.broadcast %div3A_217 : f32 to vector<2048x1xf32>
    %div3A_219 = arith.divf %broadcast_in_dim3A_216, %div3A_218 : vector<2048x1xf32>
    %sub3A_220 = vector.broadcast %div3A_219 : vector<2048x1xf32> to vector<2048x16xf32>
    %sub3A_221 = arith.subf %add3A_207, %sub3A_220 : vector<2048x16xf32>
    %integer_pow3A_222 = arith.mulf %sub3A_221, %sub3A_221 : vector<2048x16xf32>
    %reduce_sum3A_223 = arith.constant dense<0.000000e+00> : vector<2048xf32>
    %reduce_sum3A_224 = vector.multi_reduction <add>, %integer_pow3A_222, %reduce_sum3A_223 [1] : vector<2048x16xf32> to vector<2048xf32>
    %broadcast_in_dim3A_225 = vector.shape_cast %reduce_sum3A_224 : vector<2048xf32> to vector<2048x1xf32>
    %div3A_226 = arith.constant 1.600000e+01 : f32
    %div3A_227 = vector.broadcast %div3A_226 : f32 to vector<2048x1xf32>
    %div3A_228 = arith.divf %broadcast_in_dim3A_225, %div3A_227 : vector<2048x1xf32>
    %sub3A_229 = vector.broadcast %div3A_219 : vector<2048x1xf32> to vector<2048x16xf32>
    %sub3A_230 = arith.subf %add3A_207, %sub3A_229 : vector<2048x16xf32>
    %add3A_231 = arith.constant 9.99999974E-6 : f32
    %add3A_232 = vector.broadcast %add3A_231 : f32 to vector<2048x1xf32>
    %add3A_233 = arith.addf %div3A_228, %add3A_232 : vector<2048x1xf32>
    %sqrt3A_234 = math.sqrt %add3A_233 : vector<2048x1xf32>
    %div3A_235 = vector.broadcast %sqrt3A_234 : vector<2048x1xf32> to vector<2048x16xf32>
    %div3A_236 = arith.divf %sub3A_230, %div3A_235 : vector<2048x16xf32>
    %mul3A_237 = vector.broadcast %get3A_210 : vector<1x16xf32> to vector<2048x16xf32>
    %mul3A_238 = arith.mulf %div3A_236, %mul3A_237 : vector<2048x16xf32>
    %add3A_239 = vector.broadcast %get3A_213 : vector<1x16xf32> to vector<2048x16xf32>
    %add3A_240 = arith.addf %mul3A_238, %add3A_239 : vector<2048x16xf32>
    %max3A_241 = arith.constant 0.000000e+00 : f32
    %max3A_242 = vector.broadcast %max3A_241 : f32 to vector<2048x16xf32>
    %max3A_243 = arith.maximumf %add3A_240, %max3A_242 : vector<2048x16xf32>
    %get3A_244 = arith.constant 0 : index
    %get3A_245 = arith.constant 0 : index
    %get3A_246 = vector.load %arg30[%get3A_244, %get3A_245] : memref<16x16xf32, #tpu.memory_space<vmem>>, vector<16x16xf32>
    %dot_general3A_247 = arith.constant dense<0.000000e+00> : vector<2048x16xf32>
    %dot_general3A_248 = tpu.matmul %max3A_243, %get3A_246, %dot_general3A_247 {dimension_numbers = #tpu.dot_dimension_numbers<[1], [0], [0], [1], [0, 0, 1, 1], [], []>, transpose_lhs_hint = false} : vector<2048x16xf32>, vector<16x16xf32>, vector<2048x16xf32> -> vector<2048x16xf32>
    %get3A_249 = arith.constant 0 : index
    %get3A_250 = arith.constant 0 : index
    %get3A_251 = vector.load %arg31[%get3A_249, %get3A_250] : memref<1x16xf32, #tpu.memory_space<vmem>>, vector<1x16xf32>
    %add3A_252 = vector.broadcast %get3A_251 : vector<1x16xf32> to vector<2048x16xf32>
    %add3A_253 = arith.addf %dot_general3A_248, %add3A_252 : vector<2048x16xf32>
    %swap3A = arith.constant 0 : index
    %swap3A_254 = arith.constant 0 : index
    %swap3A_255 = arith.constant 0 : index
    %swap3A_256 = vector.load %arg32[%swap3A, %swap3A_254, %swap3A_255] : memref<1x2048x16xf32, #tpu.memory_space<vmem>>, vector<1x2048x16xf32>
    %swap3A_257 = vector.shape_cast %swap3A_256 : vector<1x2048x16xf32> to vector<2048x16xf32>
    %swap3A_258 = vector.shape_cast %add3A_253 : vector<2048x16xf32> to vector<1x2048x16xf32>
    tpu.vector_store %arg32[%swap3A, %swap3A_254, %swap3A_255], %swap3A_258 {strides = array<i32>} : memref<1x2048x16xf32, #tpu.memory_space<vmem>>, vector<1x2048x16xf32>,
    %add3A_259 = arith.addf %add3A_27, %add3A_76 : vector<2048x128xf32>
    %swap3A_260 = arith.constant 0 : index
    %swap3A_261 = arith.constant 0 : index
    %swap3A_262 = arith.constant 0 : index
    %swap3A_263 = vector.load %arg33[%swap3A_260, %swap3A_261, %swap3A_262] : memref<1x2048x128xf32, #tpu.memory_space<vmem>>, vector<1x2048x128xf32>
    %swap3A_264 = vector.shape_cast %swap3A_263 : vector<1x2048x128xf32> to vector<2048x128xf32>
    %swap3A_265 = vector.shape_cast %add3A_259 : vector<2048x128xf32> to vector<1x2048x128xf32>
    tpu.vector_store %arg33[%swap3A_260, %swap3A_261, %swap3A_262], %swap3A_265 {strides = array<i32>} : memref<1x2048x128xf32, #tpu.memory_space<vmem>>, vector<1x2048x128xf32>,
    return
  }
  func.func @transform_0(%arg0: i32, %arg1: i32) -> (i32, i32, i32) {
    %mul3A = arith.constant 4 : i32
    %mul3A_0 = arith.muli %arg0, %mul3A : i32
    %add3A = arith.addi %mul3A_0, %arg1 : i32
    %c0_i32 = arith.constant 0 : i32
    %c0_i32_1 = arith.constant 0 : i32
    %c0_i32_2 = arith.constant 0 : i32
    return %add3A, %c0_i32, %c0_i32_1 : i32, i32, i32
  }
  func.func @transform_1(%arg0: i32, %arg1: i32) -> (i32, i32, i32) {
    %mul3A = arith.constant 4 : i32
    %mul3A_0 = arith.muli %arg0, %mul3A : i32
    %add3A = arith.addi %mul3A_0, %arg1 : i32
    %c0_i32 = arith.constant 0 : i32
    %c0_i32_1 = arith.constant 0 : i32
    %c0_i32_2 = arith.constant 0 : i32
    return %add3A, %c0_i32, %c0_i32_1 : i32, i32, i32
  }
  func.func @transform_2(%arg0: i32, %arg1: i32) -> (i32, i32, i32) {
    %mul3A = arith.constant 4 : i32
    %mul3A_0 = arith.muli %arg0, %mul3A : i32
    %add3A = arith.addi %mul3A_0, %arg1 : i32
    %c0_i32 = arith.constant 0 : i32
    %c0_i32_1 = arith.constant 0 : i32
    %c0_i32_2 = arith.constant 0 : i32
    return %add3A, %c0_i32, %c0_i32_1 : i32, i32, i32
  }
  func.func @transform_3(%arg0: i32, %arg1: i32) -> (i32, i32, i32) {
    %mul3A = arith.constant 4 : i32
    %mul3A_0 = arith.muli %arg0, %mul3A : i32
    %add3A = arith.addi %mul3A_0, %arg1 : i32
    %c0_i32 = arith.constant 0 : i32
    %c0_i32_1 = arith.constant 0 : i32
    %c0_i32_2 = arith.constant 0 : i32
    return %add3A, %c0_i32, %c0_i32_1 : i32, i32, i32
  }
  func.func @transform_4(%arg0: i32, %arg1: i32) -> (i32, i32) {
    %c0_i32 = arith.constant 0 : i32
    %c0_i32_0 = arith.constant 0 : i32
    %c0_i32_1 = arith.constant 0 : i32
    return %c0_i32, %c0_i32_0 : i32, i32
  }
  func.func @transform_5(%arg0: i32, %arg1: i32) -> (i32, i32) {
    %c0_i32 = arith.constant 0 : i32
    %c0_i32_0 = arith.constant 0 : i32
    %c0_i32_1 = arith.constant 0 : i32
    return %c0_i32, %c0_i32_0 : i32, i32
  }
  func.func @transform_6(%arg0: i32, %arg1: i32) -> (i32, i32) {
    %c0_i32 = arith.constant 0 : i32
    %c0_i32_0 = arith.constant 0 : i32
    %c0_i32_1 = arith.constant 0 : i32
    return %c0_i32, %c0_i32_0 : i32, i32
  }
  func.func @transform_7(%arg0: i32, %arg1: i32) -> (i32, i32) {
    %c0_i32 = arith.constant 0 : i32
    %c0_i32_0 = arith.constant 0 : i32
    %c0_i32_1 = arith.constant 0 : i32
    return %c0_i32, %c0_i32_0 : i32, i32
  }
  func.func @transform_8(%arg0: i32, %arg1: i32) -> (i32, i32) {
    %c0_i32 = arith.constant 0 : i32
    %c0_i32_0 = arith.constant 0 : i32
    %c0_i32_1 = arith.constant 0 : i32
    return %c0_i32, %c0_i32_0 : i32, i32
  }
  func.func @transform_9(%arg0: i32, %arg1: i32) -> (i32, i32) {
    %c0_i32 = arith.constant 0 : i32
    %c0_i32_0 = arith.constant 0 : i32
    %c0_i32_1 = arith.constant 0 : i32
    return %c0_i32, %c0_i32_0 : i32, i32
  }
  func.func @transform_10(%arg0: i32, %arg1: i32) -> (i32, i32) {
    %c0_i32 = arith.constant 0 : i32
    %c0_i32_0 = arith.constant 0 : i32
    %c0_i32_1 = arith.constant 0 : i32
    return %c0_i32, %c0_i32_0 : i32, i32
  }
  func.func @transform_11(%arg0: i32, %arg1: i32) -> (i32, i32) {
    %c0_i32 = arith.constant 0 : i32
    %c0_i32_0 = arith.constant 0 : i32
    %c0_i32_1 = arith.constant 0 : i32
    return %c0_i32, %c0_i32_0 : i32, i32
  }
  func.func @transform_12(%arg0: i32, %arg1: i32) -> (i32, i32) {
    %c0_i32 = arith.constant 0 : i32
    %c0_i32_0 = arith.constant 0 : i32
    %c0_i32_1 = arith.constant 0 : i32
    return %c0_i32, %c0_i32_0 : i32, i32
  }
  func.func @transform_13(%arg0: i32, %arg1: i32) -> (i32, i32) {
    %c0_i32 = arith.constant 0 : i32
    %c0_i32_0 = arith.constant 0 : i32
    %c0_i32_1 = arith.constant 0 : i32
    return %c0_i32, %c0_i32_0 : i32, i32
  }
  func.func @transform_14(%arg0: i32, %arg1: i32) -> (i32, i32) {
    %c0_i32 = arith.constant 0 : i32
    %c0_i32_0 = arith.constant 0 : i32
    %c0_i32_1 = arith.constant 0 : i32
    return %c0_i32, %c0_i32_0 : i32, i32
  }
  func.func @transform_15(%arg0: i32, %arg1: i32) -> (i32, i32) {
    %c0_i32 = arith.constant 0 : i32
    %c0_i32_0 = arith.constant 0 : i32
    %c0_i32_1 = arith.constant 0 : i32
    return %c0_i32, %c0_i32_0 : i32, i32
  }
  func.func @transform_16(%arg0: i32, %arg1: i32) -> (i32, i32) {
    %c0_i32 = arith.constant 0 : i32
    %c0_i32_0 = arith.constant 0 : i32
    %c0_i32_1 = arith.constant 0 : i32
    return %c0_i32, %c0_i32_0 : i32, i32
  }
  func.func @transform_17(%arg0: i32, %arg1: i32) -> (i32, i32) {
    %c0_i32 = arith.constant 0 : i32
    %c0_i32_0 = arith.constant 0 : i32
    %c0_i32_1 = arith.constant 0 : i32
    return %c0_i32, %c0_i32_0 : i32, i32
  }
  func.func @transform_18(%arg0: i32, %arg1: i32) -> (i32, i32) {
    %c0_i32 = arith.constant 0 : i32
    %c0_i32_0 = arith.constant 0 : i32
    %c0_i32_1 = arith.constant 0 : i32
    return %c0_i32, %c0_i32_0 : i32, i32
  }
  func.func @transform_19(%arg0: i32, %arg1: i32) -> (i32, i32) {
    %c0_i32 = arith.constant 0 : i32
    %c0_i32_0 = arith.constant 0 : i32
    %c0_i32_1 = arith.constant 0 : i32
    return %c0_i32, %c0_i32_0 : i32, i32
  }
  func.func @transform_20(%arg0: i32, %arg1: i32) -> (i32, i32) {
    %c0_i32 = arith.constant 0 : i32
    %c0_i32_0 = arith.constant 0 : i32
    %c0_i32_1 = arith.constant 0 : i32
    return %c0_i32, %c0_i32_0 : i32, i32
  }
  func.func @transform_21(%arg0: i32, %arg1: i32) -> (i32, i32) {
    %c0_i32 = arith.constant 0 : i32
    %c0_i32_0 = arith.constant 0 : i32
    %c0_i32_1 = arith.constant 0 : i32
    return %c0_i32, %c0_i32_0 : i32, i32
  }
  func.func @transform_22(%arg0: i32, %arg1: i32) -> (i32, i32) {
    %c0_i32 = arith.constant 0 : i32
    %c0_i32_0 = arith.constant 0 : i32
    %c0_i32_1 = arith.constant 0 : i32
    return %c0_i32, %c0_i32_0 : i32, i32
  }
  func.func @transform_23(%arg0: i32, %arg1: i32) -> (i32, i32) {
    %c0_i32 = arith.constant 0 : i32
    %c0_i32_0 = arith.constant 0 : i32
    %c0_i32_1 = arith.constant 0 : i32
    return %c0_i32, %c0_i32_0 : i32, i32
  }
  func.func @transform_24(%arg0: i32, %arg1: i32) -> (i32, i32) {
    %c0_i32 = arith.constant 0 : i32
    %c0_i32_0 = arith.constant 0 : i32
    %c0_i32_1 = arith.constant 0 : i32
    return %c0_i32, %c0_i32_0 : i32, i32
  }
  func.func @transform_25(%arg0: i32, %arg1: i32) -> (i32, i32) {
    %c0_i32 = arith.constant 0 : i32
    %c0_i32_0 = arith.constant 0 : i32
    %c0_i32_1 = arith.constant 0 : i32
    return %c0_i32, %c0_i32_0 : i32, i32
  }
  func.func @transform_26(%arg0: i32, %arg1: i32) -> (i32, i32) {
    %c0_i32 = arith.constant 0 : i32
    %c0_i32_0 = arith.constant 0 : i32
    %c0_i32_1 = arith.constant 0 : i32
    return %c0_i32, %c0_i32_0 : i32, i32
  }
  func.func @transform_27(%arg0: i32, %arg1: i32) -> (i32, i32) {
    %c0_i32 = arith.constant 0 : i32
    %c0_i32_0 = arith.constant 0 : i32
    %c0_i32_1 = arith.constant 0 : i32
    return %c0_i32, %c0_i32_0 : i32, i32
  }
  func.func @transform_28(%arg0: i32, %arg1: i32) -> (i32, i32) {
    %c0_i32 = arith.constant 0 : i32
    %c0_i32_0 = arith.constant 0 : i32
    %c0_i32_1 = arith.constant 0 : i32
    return %c0_i32, %c0_i32_0 : i32, i32
  }
  func.func @transform_29(%arg0: i32, %arg1: i32) -> (i32, i32) {
    %c0_i32 = arith.constant 0 : i32
    %c0_i32_0 = arith.constant 0 : i32
    %c0_i32_1 = arith.constant 0 : i32
    return %c0_i32, %c0_i32_0 : i32, i32
  }
  func.func @transform_30(%arg0: i32, %arg1: i32) -> (i32, i32, i32) {
    %mul3A = arith.constant 4 : i32
    %mul3A_0 = arith.muli %arg0, %mul3A : i32
    %add3A = arith.addi %mul3A_0, %arg1 : i32
    %c0_i32 = arith.constant 0 : i32
    %c0_i32_1 = arith.constant 0 : i32
    %c0_i32_2 = arith.constant 0 : i32
    return %add3A, %c0_i32, %c0_i32_1 : i32, i32, i32
  }
  func.func @transform_31(%arg0: i32, %arg1: i32) -> (i32, i32, i32) {
    %mul3A = arith.constant 4 : i32
    %mul3A_0 = arith.muli %arg0, %mul3A : i32
    %add3A = arith.addi %mul3A_0, %arg1 : i32
    %c0_i32 = arith.constant 0 : i32
    %c0_i32_1 = arith.constant 0 : i32
    %c0_i32_2 = arith.constant 0 : i32
    return %add3A, %c0_i32, %c0_i32_1 : i32, i32, i32
  }
}

module attributes {stable_mosaic.version = 14 : i64} {
  func.func @_agg_body(%arg0: i32, %arg1: memref<1x512x256xf32, #tpu.memory_space<vmem>>, %arg2: memref<1x512x16x128xf32, #tpu.memory_space<vmem>>, %arg3: memref<1x512x128xf32, #tpu.memory_space<vmem>>) attributes {dimension_semantics = [#tpu.dimension_semantics<parallel>], iteration_bounds = array<i64: 4>, scalar_prefetch = 0 : i64, scratch_operands = 0 : i64, tpu.core_type = #tpu.core_type<tc>, window_params = [{transform_indices = @transform_0, window_bounds = array<i64: 1, 512, 256>}, {transform_indices = @transform_1, window_bounds = array<i64: 1, 512, 16, 128>}, {transform_indices = @transform_2, window_bounds = array<i64: 1, 512, 128>}]} {
    %get3A = arith.constant 0 : index
    %get3A_0 = arith.constant 0 : index
    %get3A_1 = arith.constant 0 : index
    %get3A_2 = vector.load %arg1[%get3A, %get3A_0, %get3A_1] : memref<1x512x256xf32, #tpu.memory_space<vmem>>, vector<1x512x256xf32>
    %get3A_3 = vector.shape_cast %get3A_2 : vector<1x512x256xf32> to vector<512x256xf32>
    %reduce_max3A = arith.constant dense<0xFF800000> : vector<256xf32>
    %reduce_max3A_4 = vector.multi_reduction <maximumf>, %get3A_3, %reduce_max3A [0] : vector<512x256xf32> to vector<256xf32>
    %broadcast_in_dim3A = vector.shape_cast %reduce_max3A_4 : vector<256xf32> to vector<1x256xf32>
    %sub3A = vector.broadcast %broadcast_in_dim3A : vector<1x256xf32> to vector<512x256xf32>
    %sub3A_5 = arith.subf %get3A_3, %sub3A : vector<512x256xf32>
    %exp3A = math.exp %sub3A_5 : vector<512x256xf32>
    %reduce_sum3A = arith.constant dense<0.000000e+00> : vector<256xf32>
    %reduce_sum3A_6 = vector.multi_reduction <add>, %exp3A, %reduce_sum3A [0] : vector<512x256xf32> to vector<256xf32>
    %broadcast_in_dim3A_7 = vector.shape_cast %reduce_sum3A_6 : vector<256xf32> to vector<1x256xf32>
    %div3A = vector.broadcast %broadcast_in_dim3A_7 : vector<1x256xf32> to vector<512x256xf32>
    %div3A_8 = arith.divf %exp3A, %div3A : vector<512x256xf32>
    %broadcast_in_dim3A_9 = arith.constant 0.000000e+00 : f32
    %broadcast_in_dim3A_10 = vector.broadcast %broadcast_in_dim3A_9 : f32 to vector<512x128xf32>
    %slice3A = vector.extract_strided_slice %div3A_8 {offsets = [0, 0], sizes = [512, 16], strides = [1, 1]} : vector<512x256xf32> to vector<512x16xf32>
    %concatenate3A = tpu.concatenate %slice3A, %slice3A, %slice3A, %slice3A, %slice3A, %slice3A, %slice3A, %slice3A in 1 : vector<512x16xf32>, vector<512x16xf32>, vector<512x16xf32>, vector<512x16xf32>, vector<512x16xf32>, vector<512x16xf32>, vector<512x16xf32>, vector<512x16xf32> -> vector<512x128xf32>
    %get3A_11 = arith.constant 0 : index
    %get3A_12 = arith.constant 0 : index
    %get3A_13 = arith.constant 0 : index
    %get3A_14 = arith.constant 0 : index
    %get3A_15 = vector.load %arg2[%get3A_11, %get3A_12, %get3A_13, %get3A_14] : memref<1x512x16x128xf32, #tpu.memory_space<vmem>>, vector<1x512x1x128xf32>
    %get3A_16 = vector.shape_cast %get3A_15 : vector<1x512x1x128xf32> to vector<512x128xf32>
    %mul3A = arith.mulf %get3A_16, %concatenate3A : vector<512x128xf32>
    %add3A = arith.addf %broadcast_in_dim3A_10, %mul3A : vector<512x128xf32>
    %slice3A_17 = vector.extract_strided_slice %div3A_8 {offsets = [0, 16], sizes = [512, 16], strides = [1, 1]} : vector<512x256xf32> to vector<512x16xf32>
    %concatenate3A_18 = tpu.concatenate %slice3A_17, %slice3A_17, %slice3A_17, %slice3A_17, %slice3A_17, %slice3A_17, %slice3A_17, %slice3A_17 in 1 : vector<512x16xf32>, vector<512x16xf32>, vector<512x16xf32>, vector<512x16xf32>, vector<512x16xf32>, vector<512x16xf32>, vector<512x16xf32>, vector<512x16xf32> -> vector<512x128xf32>
    %get3A_19 = arith.constant 0 : index
    %get3A_20 = arith.constant 0 : index
    %get3A_21 = arith.constant 1 : index
    %get3A_22 = arith.constant 0 : index
    %get3A_23 = vector.load %arg2[%get3A_19, %get3A_20, %get3A_21, %get3A_22] : memref<1x512x16x128xf32, #tpu.memory_space<vmem>>, vector<1x512x1x128xf32>
    %get3A_24 = vector.shape_cast %get3A_23 : vector<1x512x1x128xf32> to vector<512x128xf32>
    %mul3A_25 = arith.mulf %get3A_24, %concatenate3A_18 : vector<512x128xf32>
    %add3A_26 = arith.addf %add3A, %mul3A_25 : vector<512x128xf32>
    %slice3A_27 = vector.extract_strided_slice %div3A_8 {offsets = [0, 32], sizes = [512, 16], strides = [1, 1]} : vector<512x256xf32> to vector<512x16xf32>
    %concatenate3A_28 = tpu.concatenate %slice3A_27, %slice3A_27, %slice3A_27, %slice3A_27, %slice3A_27, %slice3A_27, %slice3A_27, %slice3A_27 in 1 : vector<512x16xf32>, vector<512x16xf32>, vector<512x16xf32>, vector<512x16xf32>, vector<512x16xf32>, vector<512x16xf32>, vector<512x16xf32>, vector<512x16xf32> -> vector<512x128xf32>
    %get3A_29 = arith.constant 0 : index
    %get3A_30 = arith.constant 0 : index
    %get3A_31 = arith.constant 2 : index
    %get3A_32 = arith.constant 0 : index
    %get3A_33 = vector.load %arg2[%get3A_29, %get3A_30, %get3A_31, %get3A_32] : memref<1x512x16x128xf32, #tpu.memory_space<vmem>>, vector<1x512x1x128xf32>
    %get3A_34 = vector.shape_cast %get3A_33 : vector<1x512x1x128xf32> to vector<512x128xf32>
    %mul3A_35 = arith.mulf %get3A_34, %concatenate3A_28 : vector<512x128xf32>
    %add3A_36 = arith.addf %add3A_26, %mul3A_35 : vector<512x128xf32>
    %slice3A_37 = vector.extract_strided_slice %div3A_8 {offsets = [0, 48], sizes = [512, 16], strides = [1, 1]} : vector<512x256xf32> to vector<512x16xf32>
    %concatenate3A_38 = tpu.concatenate %slice3A_37, %slice3A_37, %slice3A_37, %slice3A_37, %slice3A_37, %slice3A_37, %slice3A_37, %slice3A_37 in 1 : vector<512x16xf32>, vector<512x16xf32>, vector<512x16xf32>, vector<512x16xf32>, vector<512x16xf32>, vector<512x16xf32>, vector<512x16xf32>, vector<512x16xf32> -> vector<512x128xf32>
    %get3A_39 = arith.constant 0 : index
    %get3A_40 = arith.constant 0 : index
    %get3A_41 = arith.constant 3 : index
    %get3A_42 = arith.constant 0 : index
    %get3A_43 = vector.load %arg2[%get3A_39, %get3A_40, %get3A_41, %get3A_42] : memref<1x512x16x128xf32, #tpu.memory_space<vmem>>, vector<1x512x1x128xf32>
    %get3A_44 = vector.shape_cast %get3A_43 : vector<1x512x1x128xf32> to vector<512x128xf32>
    %mul3A_45 = arith.mulf %get3A_44, %concatenate3A_38 : vector<512x128xf32>
    %add3A_46 = arith.addf %add3A_36, %mul3A_45 : vector<512x128xf32>
    %slice3A_47 = vector.extract_strided_slice %div3A_8 {offsets = [0, 64], sizes = [512, 16], strides = [1, 1]} : vector<512x256xf32> to vector<512x16xf32>
    %concatenate3A_48 = tpu.concatenate %slice3A_47, %slice3A_47, %slice3A_47, %slice3A_47, %slice3A_47, %slice3A_47, %slice3A_47, %slice3A_47 in 1 : vector<512x16xf32>, vector<512x16xf32>, vector<512x16xf32>, vector<512x16xf32>, vector<512x16xf32>, vector<512x16xf32>, vector<512x16xf32>, vector<512x16xf32> -> vector<512x128xf32>
    %get3A_49 = arith.constant 0 : index
    %get3A_50 = arith.constant 0 : index
    %get3A_51 = arith.constant 4 : index
    %get3A_52 = arith.constant 0 : index
    %get3A_53 = vector.load %arg2[%get3A_49, %get3A_50, %get3A_51, %get3A_52] : memref<1x512x16x128xf32, #tpu.memory_space<vmem>>, vector<1x512x1x128xf32>
    %get3A_54 = vector.shape_cast %get3A_53 : vector<1x512x1x128xf32> to vector<512x128xf32>
    %mul3A_55 = arith.mulf %get3A_54, %concatenate3A_48 : vector<512x128xf32>
    %add3A_56 = arith.addf %add3A_46, %mul3A_55 : vector<512x128xf32>
    %slice3A_57 = vector.extract_strided_slice %div3A_8 {offsets = [0, 80], sizes = [512, 16], strides = [1, 1]} : vector<512x256xf32> to vector<512x16xf32>
    %concatenate3A_58 = tpu.concatenate %slice3A_57, %slice3A_57, %slice3A_57, %slice3A_57, %slice3A_57, %slice3A_57, %slice3A_57, %slice3A_57 in 1 : vector<512x16xf32>, vector<512x16xf32>, vector<512x16xf32>, vector<512x16xf32>, vector<512x16xf32>, vector<512x16xf32>, vector<512x16xf32>, vector<512x16xf32> -> vector<512x128xf32>
    %get3A_59 = arith.constant 0 : index
    %get3A_60 = arith.constant 0 : index
    %get3A_61 = arith.constant 5 : index
    %get3A_62 = arith.constant 0 : index
    %get3A_63 = vector.load %arg2[%get3A_59, %get3A_60, %get3A_61, %get3A_62] : memref<1x512x16x128xf32, #tpu.memory_space<vmem>>, vector<1x512x1x128xf32>
    %get3A_64 = vector.shape_cast %get3A_63 : vector<1x512x1x128xf32> to vector<512x128xf32>
    %mul3A_65 = arith.mulf %get3A_64, %concatenate3A_58 : vector<512x128xf32>
    %add3A_66 = arith.addf %add3A_56, %mul3A_65 : vector<512x128xf32>
    %slice3A_67 = vector.extract_strided_slice %div3A_8 {offsets = [0, 96], sizes = [512, 16], strides = [1, 1]} : vector<512x256xf32> to vector<512x16xf32>
    %concatenate3A_68 = tpu.concatenate %slice3A_67, %slice3A_67, %slice3A_67, %slice3A_67, %slice3A_67, %slice3A_67, %slice3A_67, %slice3A_67 in 1 : vector<512x16xf32>, vector<512x16xf32>, vector<512x16xf32>, vector<512x16xf32>, vector<512x16xf32>, vector<512x16xf32>, vector<512x16xf32>, vector<512x16xf32> -> vector<512x128xf32>
    %get3A_69 = arith.constant 0 : index
    %get3A_70 = arith.constant 0 : index
    %get3A_71 = arith.constant 6 : index
    %get3A_72 = arith.constant 0 : index
    %get3A_73 = vector.load %arg2[%get3A_69, %get3A_70, %get3A_71, %get3A_72] : memref<1x512x16x128xf32, #tpu.memory_space<vmem>>, vector<1x512x1x128xf32>
    %get3A_74 = vector.shape_cast %get3A_73 : vector<1x512x1x128xf32> to vector<512x128xf32>
    %mul3A_75 = arith.mulf %get3A_74, %concatenate3A_68 : vector<512x128xf32>
    %add3A_76 = arith.addf %add3A_66, %mul3A_75 : vector<512x128xf32>
    %slice3A_77 = vector.extract_strided_slice %div3A_8 {offsets = [0, 112], sizes = [512, 16], strides = [1, 1]} : vector<512x256xf32> to vector<512x16xf32>
    %concatenate3A_78 = tpu.concatenate %slice3A_77, %slice3A_77, %slice3A_77, %slice3A_77, %slice3A_77, %slice3A_77, %slice3A_77, %slice3A_77 in 1 : vector<512x16xf32>, vector<512x16xf32>, vector<512x16xf32>, vector<512x16xf32>, vector<512x16xf32>, vector<512x16xf32>, vector<512x16xf32>, vector<512x16xf32> -> vector<512x128xf32>
    %get3A_79 = arith.constant 0 : index
    %get3A_80 = arith.constant 0 : index
    %get3A_81 = arith.constant 7 : index
    %get3A_82 = arith.constant 0 : index
    %get3A_83 = vector.load %arg2[%get3A_79, %get3A_80, %get3A_81, %get3A_82] : memref<1x512x16x128xf32, #tpu.memory_space<vmem>>, vector<1x512x1x128xf32>
    %get3A_84 = vector.shape_cast %get3A_83 : vector<1x512x1x128xf32> to vector<512x128xf32>
    %mul3A_85 = arith.mulf %get3A_84, %concatenate3A_78 : vector<512x128xf32>
    %add3A_86 = arith.addf %add3A_76, %mul3A_85 : vector<512x128xf32>
    %slice3A_87 = vector.extract_strided_slice %div3A_8 {offsets = [0, 128], sizes = [512, 16], strides = [1, 1]} : vector<512x256xf32> to vector<512x16xf32>
    %concatenate3A_88 = tpu.concatenate %slice3A_87, %slice3A_87, %slice3A_87, %slice3A_87, %slice3A_87, %slice3A_87, %slice3A_87, %slice3A_87 in 1 : vector<512x16xf32>, vector<512x16xf32>, vector<512x16xf32>, vector<512x16xf32>, vector<512x16xf32>, vector<512x16xf32>, vector<512x16xf32>, vector<512x16xf32> -> vector<512x128xf32>
    %get3A_89 = arith.constant 0 : index
    %get3A_90 = arith.constant 0 : index
    %get3A_91 = arith.constant 8 : index
    %get3A_92 = arith.constant 0 : index
    %get3A_93 = vector.load %arg2[%get3A_89, %get3A_90, %get3A_91, %get3A_92] : memref<1x512x16x128xf32, #tpu.memory_space<vmem>>, vector<1x512x1x128xf32>
    %get3A_94 = vector.shape_cast %get3A_93 : vector<1x512x1x128xf32> to vector<512x128xf32>
    %mul3A_95 = arith.mulf %get3A_94, %concatenate3A_88 : vector<512x128xf32>
    %add3A_96 = arith.addf %add3A_86, %mul3A_95 : vector<512x128xf32>
    %slice3A_97 = vector.extract_strided_slice %div3A_8 {offsets = [0, 144], sizes = [512, 16], strides = [1, 1]} : vector<512x256xf32> to vector<512x16xf32>
    %concatenate3A_98 = tpu.concatenate %slice3A_97, %slice3A_97, %slice3A_97, %slice3A_97, %slice3A_97, %slice3A_97, %slice3A_97, %slice3A_97 in 1 : vector<512x16xf32>, vector<512x16xf32>, vector<512x16xf32>, vector<512x16xf32>, vector<512x16xf32>, vector<512x16xf32>, vector<512x16xf32>, vector<512x16xf32> -> vector<512x128xf32>
    %get3A_99 = arith.constant 0 : index
    %get3A_100 = arith.constant 0 : index
    %get3A_101 = arith.constant 9 : index
    %get3A_102 = arith.constant 0 : index
    %get3A_103 = vector.load %arg2[%get3A_99, %get3A_100, %get3A_101, %get3A_102] : memref<1x512x16x128xf32, #tpu.memory_space<vmem>>, vector<1x512x1x128xf32>
    %get3A_104 = vector.shape_cast %get3A_103 : vector<1x512x1x128xf32> to vector<512x128xf32>
    %mul3A_105 = arith.mulf %get3A_104, %concatenate3A_98 : vector<512x128xf32>
    %add3A_106 = arith.addf %add3A_96, %mul3A_105 : vector<512x128xf32>
    %slice3A_107 = vector.extract_strided_slice %div3A_8 {offsets = [0, 160], sizes = [512, 16], strides = [1, 1]} : vector<512x256xf32> to vector<512x16xf32>
    %concatenate3A_108 = tpu.concatenate %slice3A_107, %slice3A_107, %slice3A_107, %slice3A_107, %slice3A_107, %slice3A_107, %slice3A_107, %slice3A_107 in 1 : vector<512x16xf32>, vector<512x16xf32>, vector<512x16xf32>, vector<512x16xf32>, vector<512x16xf32>, vector<512x16xf32>, vector<512x16xf32>, vector<512x16xf32> -> vector<512x128xf32>
    %get3A_109 = arith.constant 0 : index
    %get3A_110 = arith.constant 0 : index
    %get3A_111 = arith.constant 10 : index
    %get3A_112 = arith.constant 0 : index
    %get3A_113 = vector.load %arg2[%get3A_109, %get3A_110, %get3A_111, %get3A_112] : memref<1x512x16x128xf32, #tpu.memory_space<vmem>>, vector<1x512x1x128xf32>
    %get3A_114 = vector.shape_cast %get3A_113 : vector<1x512x1x128xf32> to vector<512x128xf32>
    %mul3A_115 = arith.mulf %get3A_114, %concatenate3A_108 : vector<512x128xf32>
    %add3A_116 = arith.addf %add3A_106, %mul3A_115 : vector<512x128xf32>
    %slice3A_117 = vector.extract_strided_slice %div3A_8 {offsets = [0, 176], sizes = [512, 16], strides = [1, 1]} : vector<512x256xf32> to vector<512x16xf32>
    %concatenate3A_118 = tpu.concatenate %slice3A_117, %slice3A_117, %slice3A_117, %slice3A_117, %slice3A_117, %slice3A_117, %slice3A_117, %slice3A_117 in 1 : vector<512x16xf32>, vector<512x16xf32>, vector<512x16xf32>, vector<512x16xf32>, vector<512x16xf32>, vector<512x16xf32>, vector<512x16xf32>, vector<512x16xf32> -> vector<512x128xf32>
    %get3A_119 = arith.constant 0 : index
    %get3A_120 = arith.constant 0 : index
    %get3A_121 = arith.constant 11 : index
    %get3A_122 = arith.constant 0 : index
    %get3A_123 = vector.load %arg2[%get3A_119, %get3A_120, %get3A_121, %get3A_122] : memref<1x512x16x128xf32, #tpu.memory_space<vmem>>, vector<1x512x1x128xf32>
    %get3A_124 = vector.shape_cast %get3A_123 : vector<1x512x1x128xf32> to vector<512x128xf32>
    %mul3A_125 = arith.mulf %get3A_124, %concatenate3A_118 : vector<512x128xf32>
    %add3A_126 = arith.addf %add3A_116, %mul3A_125 : vector<512x128xf32>
    %slice3A_127 = vector.extract_strided_slice %div3A_8 {offsets = [0, 192], sizes = [512, 16], strides = [1, 1]} : vector<512x256xf32> to vector<512x16xf32>
    %concatenate3A_128 = tpu.concatenate %slice3A_127, %slice3A_127, %slice3A_127, %slice3A_127, %slice3A_127, %slice3A_127, %slice3A_127, %slice3A_127 in 1 : vector<512x16xf32>, vector<512x16xf32>, vector<512x16xf32>, vector<512x16xf32>, vector<512x16xf32>, vector<512x16xf32>, vector<512x16xf32>, vector<512x16xf32> -> vector<512x128xf32>
    %get3A_129 = arith.constant 0 : index
    %get3A_130 = arith.constant 0 : index
    %get3A_131 = arith.constant 12 : index
    %get3A_132 = arith.constant 0 : index
    %get3A_133 = vector.load %arg2[%get3A_129, %get3A_130, %get3A_131, %get3A_132] : memref<1x512x16x128xf32, #tpu.memory_space<vmem>>, vector<1x512x1x128xf32>
    %get3A_134 = vector.shape_cast %get3A_133 : vector<1x512x1x128xf32> to vector<512x128xf32>
    %mul3A_135 = arith.mulf %get3A_134, %concatenate3A_128 : vector<512x128xf32>
    %add3A_136 = arith.addf %add3A_126, %mul3A_135 : vector<512x128xf32>
    %slice3A_137 = vector.extract_strided_slice %div3A_8 {offsets = [0, 208], sizes = [512, 16], strides = [1, 1]} : vector<512x256xf32> to vector<512x16xf32>
    %concatenate3A_138 = tpu.concatenate %slice3A_137, %slice3A_137, %slice3A_137, %slice3A_137, %slice3A_137, %slice3A_137, %slice3A_137, %slice3A_137 in 1 : vector<512x16xf32>, vector<512x16xf32>, vector<512x16xf32>, vector<512x16xf32>, vector<512x16xf32>, vector<512x16xf32>, vector<512x16xf32>, vector<512x16xf32> -> vector<512x128xf32>
    %get3A_139 = arith.constant 0 : index
    %get3A_140 = arith.constant 0 : index
    %get3A_141 = arith.constant 13 : index
    %get3A_142 = arith.constant 0 : index
    %get3A_143 = vector.load %arg2[%get3A_139, %get3A_140, %get3A_141, %get3A_142] : memref<1x512x16x128xf32, #tpu.memory_space<vmem>>, vector<1x512x1x128xf32>
    %get3A_144 = vector.shape_cast %get3A_143 : vector<1x512x1x128xf32> to vector<512x128xf32>
    %mul3A_145 = arith.mulf %get3A_144, %concatenate3A_138 : vector<512x128xf32>
    %add3A_146 = arith.addf %add3A_136, %mul3A_145 : vector<512x128xf32>
    %slice3A_147 = vector.extract_strided_slice %div3A_8 {offsets = [0, 224], sizes = [512, 16], strides = [1, 1]} : vector<512x256xf32> to vector<512x16xf32>
    %concatenate3A_148 = tpu.concatenate %slice3A_147, %slice3A_147, %slice3A_147, %slice3A_147, %slice3A_147, %slice3A_147, %slice3A_147, %slice3A_147 in 1 : vector<512x16xf32>, vector<512x16xf32>, vector<512x16xf32>, vector<512x16xf32>, vector<512x16xf32>, vector<512x16xf32>, vector<512x16xf32>, vector<512x16xf32> -> vector<512x128xf32>
    %get3A_149 = arith.constant 0 : index
    %get3A_150 = arith.constant 0 : index
    %get3A_151 = arith.constant 14 : index
    %get3A_152 = arith.constant 0 : index
    %get3A_153 = vector.load %arg2[%get3A_149, %get3A_150, %get3A_151, %get3A_152] : memref<1x512x16x128xf32, #tpu.memory_space<vmem>>, vector<1x512x1x128xf32>
    %get3A_154 = vector.shape_cast %get3A_153 : vector<1x512x1x128xf32> to vector<512x128xf32>
    %mul3A_155 = arith.mulf %get3A_154, %concatenate3A_148 : vector<512x128xf32>
    %add3A_156 = arith.addf %add3A_146, %mul3A_155 : vector<512x128xf32>
    %slice3A_157 = vector.extract_strided_slice %div3A_8 {offsets = [0, 240], sizes = [512, 16], strides = [1, 1]} : vector<512x256xf32> to vector<512x16xf32>
    %concatenate3A_158 = tpu.concatenate %slice3A_157, %slice3A_157, %slice3A_157, %slice3A_157, %slice3A_157, %slice3A_157, %slice3A_157, %slice3A_157 in 1 : vector<512x16xf32>, vector<512x16xf32>, vector<512x16xf32>, vector<512x16xf32>, vector<512x16xf32>, vector<512x16xf32>, vector<512x16xf32>, vector<512x16xf32> -> vector<512x128xf32>
    %get3A_159 = arith.constant 0 : index
    %get3A_160 = arith.constant 0 : index
    %get3A_161 = arith.constant 15 : index
    %get3A_162 = arith.constant 0 : index
    %get3A_163 = vector.load %arg2[%get3A_159, %get3A_160, %get3A_161, %get3A_162] : memref<1x512x16x128xf32, #tpu.memory_space<vmem>>, vector<1x512x1x128xf32>
    %get3A_164 = vector.shape_cast %get3A_163 : vector<1x512x1x128xf32> to vector<512x128xf32>
    %mul3A_165 = arith.mulf %get3A_164, %concatenate3A_158 : vector<512x128xf32>
    %add3A_166 = arith.addf %add3A_156, %mul3A_165 : vector<512x128xf32>
    %swap3A = arith.constant 0 : index
    %swap3A_167 = arith.constant 0 : index
    %swap3A_168 = arith.constant 0 : index
    %swap3A_169 = vector.load %arg3[%swap3A, %swap3A_167, %swap3A_168] : memref<1x512x128xf32, #tpu.memory_space<vmem>>, vector<1x512x128xf32>
    %swap3A_170 = vector.shape_cast %swap3A_169 : vector<1x512x128xf32> to vector<512x128xf32>
    %swap3A_171 = vector.shape_cast %add3A_166 : vector<512x128xf32> to vector<1x512x128xf32>
    tpu.vector_store %arg3[%swap3A, %swap3A_167, %swap3A_168], %swap3A_171 {strides = array<i32>} : memref<1x512x128xf32, #tpu.memory_space<vmem>>, vector<1x512x128xf32>,
    return
  }
  func.func @transform_0(%arg0: i32) -> (i32, i32, i32) {
    %c0_i32 = arith.constant 0 : i32
    %c0_i32_0 = arith.constant 0 : i32
    %c0_i32_1 = arith.constant 0 : i32
    return %arg0, %c0_i32, %c0_i32_0 : i32, i32, i32
  }
  func.func @transform_1(%arg0: i32) -> (i32, i32, i32, i32) {
    %c0_i32 = arith.constant 0 : i32
    %c0_i32_0 = arith.constant 0 : i32
    %c0_i32_1 = arith.constant 0 : i32
    %c0_i32_2 = arith.constant 0 : i32
    return %arg0, %c0_i32, %c0_i32_0, %c0_i32_1 : i32, i32, i32, i32
  }
  func.func @transform_2(%arg0: i32) -> (i32, i32, i32) {
    %c0_i32 = arith.constant 0 : i32
    %c0_i32_0 = arith.constant 0 : i32
    %c0_i32_1 = arith.constant 0 : i32
    return %arg0, %c0_i32, %c0_i32_0 : i32, i32, i32
  }
}

</mosaic_0001>

<sc_bundles>
// kernel: kernel.7.cloned.1.call-start
scs
__scs_entry_jumppad:
0x0: {  	(pc) =	sbr.rel $0x88, $3  }
0x1: {  	(tag) =	ssettag $0x0;
	lr =	simm.s32 $0x1  }
0x2: {  	[smem:$0x3F83] =	sst lr;
	_ =	strace $0xD0000000  }
0x3: {  	_ = 	snop  }
0x4: {  	_ = 	snop  }
0x5: {  	_ = 	snop  }
0x6: {  	_ = 	snop  }
0x7: {  	_ = 	snop  }
__scs_overlays_trampoline_lowered:
0x8: {  	[smem:$0x3F92] =	sst s0  }
0x9: {  	[smem:$0x3F93] =	sst s1  }
0xa: {  	[smem:$0x3F94] =	sst s2  }
0xb: {  	[smem:$0x3F95] =	sst s3  }
0xc: {  	[smem:$0x3F96] =	sst s4  }
0xd: {  	[smem:$0x3F97] =	sst s5  }
0xe: {  	[smem:$0x3F98] =	sst s6  }
0xf: {  	[smem:$0x3F99] =	sst s7  }
0x10: {  	[smem:$0x3F9A] =	sst s8  }
0x11: {  	[smem:$0x3F9B] =	sst s9;
	s0 =	simm.s32 @!p0 $0x0  }
0x12: {  	s1 =	sld [smem:$0x3F81];
	s0 =	simm.s32 @p0 $0x1  }
0x13: {  	[smem:$0x3F9C] =	sst s0;
	s0 =	simm.s32 @!p1 $0x0  }
0x14: {  	s2 =	sld [smem:$0x3F80];
	s0 =	simm.s32 @p1 $0x1  }
0x15: {  	[smem:$0x3F9D] =	sst s0;
	s0 =	simm.s32 @!p2 $0x0  }
0x16: {  	s3 =	sld [smem:$0x3FDB];
	s0 =	simm.s32 @p2 $0x1  }
0x17: {  	s4 =	simm.s32 $0x1BF5;
	[smem:$0x3F9F] =	sst s0  }
0x18: {  	s0 =	sld [smem:$0x3F82];
	_ =	swait.ge [sflag:s4], $0x0  }
0x19: {  	s7 =	sld [smem:$0x3F83]  }
0x1a: {  	s8 =	sadd.s32 $0xFFFFE003, lr  }
0x1b: {  	s9 =	sadd.s32 $0xFFFFFEF7, lr;
	s5 =	simm.s32 $0xFFFFFFFF;
	p2 =	slt.u32 s8, $0xFFFFF086  }
0x1c: {  	p1 =	slt.u32 s9, $0xF7A;
	s5 =	simm.s32 @!p2 $0x0  }
0x1d: {  	s5 =	simm.s32 @p1 $0x1;
	p0 =	seq.s32 s7, s2  }
0x1e: {  	s7 =	smul.u32 @!p0 $0xF7A, s2;
	p2 =	seq.s32 @!p0 s5, $0x0  }
0x1f: {  	s9 =	smul.u32 $0xF7A, s1;
	s8 =	simm.s32 @!p0 $0x1BF5;
	p2 =	por !p2, p0  }
0x20: {  	[sflag:s8] =	ssyncset.s32 @!p0 $0xFFFFF086;
	s6 =	sadd.s32 @!p0 s3, s7;
	s7 =	simm.s32 @!p0 $0x108  }
0x21: {  	s3 =	sadd.s32 s3, s9;
	s6 =	sadd.s32 @!p0 $0x88, s6;
	s7 =	simm.s32 @p2 $0x1082  }
0x22: {  	[simem:s7], [sflag:s8] =	dma.local @!p0 [hbm:s6], $0xF7A  }
0x23: {  	s9 =	sor.u32 $0xD0000000, s2;
	s6 =	simm.s32 $0x108;
	_ =	swait.ge @!p0 [sflag:s8], $0x0  }
0x24: {  	s3 =	sadd.s32 $0x88, s3;
	s6 =	simm.s32 @!p1 $0x1082;
	[sflag:s4] =	ssyncset.s32 $0xFFFFF086  }
0x25: {  	[simem:s6], [sflag:s4] =	dma.local [hbm:s3], $0xF7A  }
0x26: {  	[smem:$0x3F83] =	sst s1;
	(tag) =	ssettag s2;
	_ =	strace s9  }
0x27: {  	s1 =	sld [smem:$0x3F93]  }
0x28: {  	s2 =	sld [smem:$0x3F94]  }
0x29: {  	s4 =	sld [smem:$0x3F96]  }
0x2a: {  	p0 =	seq.s32 s5, $0x0;
	s5 =	sld [smem:$0x3F97]  }
0x2b: {  	s6 =	sld [smem:$0x3F98]  }
0x2c: {  	s7 =	sld [smem:$0x3F99]  }
0x2d: {  	s3 =	simm.s32 $0x108;
	s8 =	sld [smem:$0x3F9A]  }
0x2e: {  	s3 =	simm.s32 @!p0 $0x1082;
	s9 =	sld [smem:$0x3F9B]  }
0x2f: {  	lr =	sadd.s32 s0, s3;
	s0 =	sld [smem:$0x3F92]  }
0x30: {  	s3 =	sld [smem:$0x3F95]  }
0x31: {  	[smem:$0x3F9E] =	sst s10  }
0x32: {  	s10 =	sld [smem:$0x3F9C];
	_ =	sdelay $0x3  }
0x33: {  	p0 =	seq.s32 s10, $0x1;
	s10 =	sld [smem:$0x3F9E];
	_ =	sdelay $0x3  }
0x34: {  	[smem:$0x3F9E] =	sst s10  }
0x35: {  	s10 =	sld [smem:$0x3F9D];
	_ =	sdelay $0x3  }
0x36: {  	p1 =	seq.s32 s10, $0x1;
	s10 =	sld [smem:$0x3F9E];
	_ =	sdelay $0x3  }
0x37: {  	[smem:$0x3F9E] =	sst s10  }
0x38: {  	s10 =	sld [smem:$0x3F9F]  }
0x39: {  	_ = 	snop;
	(pc) =	sbr.ind lr, $3  }
0x3a: {  	_ = 	snop  }
0x3b: {  	_ = 	snop  }
0x3c: {  	p2 =	seq.s32 s10, $0x1;
	s10 =	sld [smem:$0x3F9E]  }
0x3d: {  	_ =	shalt  }
0x3e: {  	_ =	shalt  }
0x3f: {  	_ =	shalt  }
0x40: {  	_ =	shalt  }
0x41: {  	_ =	shalt  }
0x42: {  	_ =	shalt  }
0x43: {  	_ =	shalt  }
0x44: {  	_ =	shalt  }
0x45: {  	_ =	shalt  }
0x46: {  	_ =	shalt  }
0x47: {  	_ =	shalt  }
0x48: {  	_ =	shalt  }
0x49: {  	_ =	shalt  }
0x4a: {  	_ =	shalt  }
0x4b: {  	_ =	shalt  }
0x4c: {  	_ =	shalt  }
0x4d: {  	_ =	shalt  }
0x4e: {  	_ =	shalt  }
0x4f: {  	_ =	shalt  }
0x50: {  	_ =	shalt  }
0x51: {  	_ =	shalt  }
0x52: {  	_ =	shalt  }
0x53: {  	_ =	shalt  }
0x54: {  	_ =	shalt  }
0x55: {  	_ =	shalt  }
0x56: {  	_ =	shalt  }
0x57: {  	_ =	shalt  }
0x58: {  	_ =	shalt  }
0x59: {  	_ =	shalt  }
0x5a: {  	_ =	shalt  }
0x5b: {  	_ =	shalt  }
0x5c: {  	_ =	shalt  }
0x5d: {  	_ =	shalt  }
0x5e: {  	_ =	shalt  }
0x5f: {  	_ =	shalt  }
0x60: {  	_ =	shalt  }
0x61: {  	_ =	shalt  }
0x62: {  	_ =	shalt  }
0x63: {  	_ =	shalt  }
0x64: {  	_ =	shalt  }
0x65: {  	_ =	shalt  }
0x66: {  	_ =	shalt  }
0x67: {  	_ =	shalt  }
0x68: {  	_ =	shalt  }
0x69: {  	_ =	shalt  }
0x6a: {  	_ =	shalt  }
0x6b: {  	_ =	shalt  }
0x6c: {  	_ =	shalt  }
0x6d: {  	_ =	shalt  }
0x6e: {  	_ =	shalt  }
0x6f: {  	_ =	shalt  }
0x70: {  	_ =	shalt  }
0x71: {  	_ =	shalt  }
0x72: {  	_ =	shalt  }
0x73: {  	_ =	shalt  }
0x74: {  	_ =	shalt  }
0x75: {  	_ =	shalt  }
0x76: {  	_ =	shalt  }
0x77: {  	_ =	shalt  }
0x78: {  	_ =	shalt  }
0x79: {  	_ =	shalt  }
0x7a: {  	_ =	shalt  }
0x7b: {  	_ =	shalt  }
0x7c: {  	_ =	shalt  }
0x7d: {  	_ =	shalt  }
0x7e: {  	_ =	shalt  }
0x7f: {  	_ =	shalt  }
0x80: {  	_ =	shalt  }
0x81: {  	_ =	shalt  }
0x82: {  	_ =	shalt  }
0x83: {  	_ =	shalt  }
0x84: {  	_ =	shalt  }
0x85: {  	_ =	shalt  }
0x86: {  	_ =	shalt  }
0x87: {  	_ =	shalt  }
.Lfunc_end0:
.L_simem_size_0:
called_computation_lowered:
.L_overlay_start_0:
0x88: {  	s2 =	sld [smem:$0x3FD9]  }
0x89: {  	s3 =	sld [smem:$0x3FFE];
	_ =	sdelay $0x1  }
0x8a: {  	s1 =	srdreg.scid  }
0x8b: {  	s0 =	sand.u32 $0x1, s1  }
0x8c: {  	s14 =	sshll.u32 s0, $0xA;
	s2 =	sadd.s32 s3, s2  }
0x8d: {  	s2 =	sadd.s32 s2, s14  }
0x8e: {  	[smem:$0x3FAA] =	sst s2  }
0x8f: {  	_ = 	snop  }
0x90: {  	s2 =	sld [smem:$0x3FD0];
	_ =	sdelay $0x2  }
0x91: {  	s15 =	simm.s32 $0xA;
	s4 =	simm.s32 $0x10  }
0x92: {  	[smem:s4], [sflag:s15] =	dma.local [hbm:s2], $0x1  }
0x93: {  	_ =	swait.eq [sflag:s15], $0x1  }
0x94: {  	[sflag:s15] =	ssyncset.done $0x0  }
0x95: {  	[sflag:s15] =	ssyncadd.s32 $0xFFFFFFFF  }
0x96: {  	s16 =	sld [smem:$0x10];
	(tm) =	ssettm $0x1  }
0x97: {  	s17 =	sld [smem:$0x3FFB];
	_ =	sdelay $0x3  }
0x98: {  	_ =	strace s17  }
0x99: {  	s3 =	sld [smem:$0x3FFC];
	_ =	sdelay $0x3  }
0x9a: {  	_ =	strace s3  }
0x9b: {  	s3 =	sld [smem:$0x3FFD];
	_ =	sdelay $0x3  }
0x9c: {  	_ =	strace s3  }
0x9d: {  	_ =	strace $0x8FFFFFFF  }
0x9e: {  	s18 =	sld [smem:$0x3FDB];
	_ =	sdelay $0x1  }
0x9f: {  	s19 =	simm.s32 $_scs_section_size  }
0xa0: {  	s5 =	simm.s32 $_size__tile_overlayer_lowered;
	s6 =	simm.s32 $_tile_overlayer_lowered  }
0xa1: {  	s22 =	simm.s32 $0x1BFF;
	s21 =	sshll.u32 s6, $0x1;
	s3 =	sadd.s32 s19, s18  }
0xa2: {  	s7 =	simm.s32 $0x0;
	s20 =	sshll.u32 s5, $0x1;
	s5 =	sadd.s32 s21, s3  }
0xa3: {  	[timem:s7], [sflag:s22] =	dma.local [hbm:s5], s20  }
0xa4: {  	_ =	swait.ge [sflag:s22], s20  }
0xa5: {  	s4 =	ssub.s32 $0x0, s20;
	[sflag:s22] =	ssyncset.done $0x0  }
0xa6: {  	[sflag:s22] =	ssyncadd.s32 s4;
	_ =	sdelay $0x1  }
0xa7: {  	s23 =	simm.s32 $0x1B8B  }
0xa8: {  	_ =	swait.ge [sflag:s23], $0x1  }
0xa9: {  	[sflag:s23] =	ssyncset.done $0x0  }
0xaa: {  	s25 =	simm.s32 $0x1B8E;
	s24 =	sld [smem:$0x3FFE];
	[sflag:s23] =	ssyncadd.s32 $0xFFFFFFFF  }
0xab: {  	s26 =	simm.s32 $execute0_lowered;
	[smem:$0x3FD2] =	sst s25  }
0xac: {  	s5 =	sshll.u32 s26, $0x1;
	_ =	strace $0x80000046;
	[dreg:$0x1] =	wrdreg $0xFFFFFFFF  }
0xad: {  	s28 =	simm.s32 $_size_execute0_lowered;
	s3 =	sadd.s32 s3, s5;
	[dreg:$0x0] =	wrdreg $0x0  }
0xae: {  	s5 =	sshll.u32 s28, $0x1;
	[dreg:$0x2] =	wrdreg s3  }
0xaf: {  	[dreg:$0x3] =	wrdreg s5  }
0xb0: {  	[dreg:$0x4] =	wrdreg $0xC0  }
0xb1: {  	_ =	task [dreg:s7], $0x5FFFF  }
0xb2: {  	[dreg:$0x1] =	wrdreg $0xFFFFFFFF  }
0xb3: {  	[dreg:$0x0] =	wrdreg $0x60  }
0xb4: {  	[dreg:$0x2] =	wrdreg s24  }
0xb5: {  	[dreg:$0x3] =	wrdreg s16  }
0xb6: {  	[dreg:$0x4] =	wrdreg $0x9  }
0xb7: {  	_ =	task.clear_ibuf [dreg:s7], $0x5FFFF;
	_ =	strace $0x90000046  }
0xb8: {  	s29 =	simm.s32 $0x9;
	_ =	strace $0x80000048  }
0xb9: {  	_ =	swait.ge [sflag:s29], $0x1  }
0xba: {  	[sflag:s29] =	ssyncadd.s32 $0xFFFFFFFF  }
0xbb: {  	_ =	strace $0x90000048  }
0xbc: {  	_ =	sfence  }
0xbd: {  	s30 =	sld [smem:$0x0];
	_ =	sdelay $0x2  }
0xbe: {  	s31 =	sshll.u32 s1, $0xD;
	s1 =	sshrl.u32 s1, $0x2  }
0xbf: {  	s3 =	sand.u32 $0x4000, s31;
	s1 =	sadd.s32 s1, s30  }
0xc0: {  	s0 =	sor.u32 s3, s0;
	s1 =	sshll.u32 s1, $0x11  }
0xc1: {  	s0 =	sor.u32 s1, s0  }
0xc2: {  	s0 =	sadd.s32 $0x8F2B, s0  }
0xc3: {  	[sflag:s0] =	ssyncadd.remote.s32 $0x1  }
0xc4: {  	_ =	sfence.sel $0xFFFF  }
0xc5: {  	[dreg:$0x0] =	wrdreg $0xFFFFFFFF;
	(pc) =	sbr.abs _section_cstart, $3  }
0xc6: {  	[dreg:$0x1] =	wrdreg $0xFFFFFFFF  }
0xc7: {  	_ =	task.clear_ibuf [dreg:s7], $0x2FFFF;
	_ =	strace $0x9FFFFFFF  }
0xc8: {  	(tm) =	ssettm $0x7FFFFFFF  }
0xc9: {  	_ =	shalt  }
tec
execute0_lowered:
.L_overlay_start_1:
0x0: {  	(tag) =	ssettag $0x1  }
0x1: {  	s1 =	srdreg.scid  }
0x2: {  	s8 =	rddreg [dreg:$0x0];
	s0 =	stileid.u32;
	s10 =	sand.u32 $0x1, s1  }
0x3: {  	s9 =	rddreg [dreg:$0x1];
	s3 =	sshll.u32 s0, $0xB;
	s4 =	sshll.u32 s10, $0xA  }
0x4: {  	s2 =	simm.s32 $0x0;
	s1 =	rddreg [dreg:$0x2];
	s11 =	sor.u32 s4, s3  }
0x5: {  	[smem:$0x7FF] =	sst s2;
	s3 =	sshrl.u32 s11, $0x3  }
0x6: {  	_ =	strace $0x80000047;
	s4 =	sadd.s32 s9, s3;
	s3 =	simm.s32 $0x2  }
0x7: {  	[tilespmem:s2], [sflag:$0x2] =	stream.linear.gather [hbm4b:s4+s2], $0x200, $0x38;
	[tilespmem:$0x10200] =	vst v63  }
0x8: {  	_ =	swait.ge [sflag:s3], $0x200  }
0x9: {  	s6 =	simm.s32 $0x200;
	[sflag:s3] =	ssyncset.done $0x0  }
0xa: {  	s7 =	simm.s32 $0x1;
	s5 =	sadd.s32 $0x4400, s8;
	[sflag:s3] =	ssyncadd.s32 $0xFFFFFE00  }
0xb: {  	[tilespmem:s6], [sflag:$0x1] =	stream.indirect.gather [hbm4b:s5+s6], $0x80, s2, s6, $0xb8;
	[tilespmem:$0x10200] =	vst v63  }
0xc: {  	_ =	swait.ge [sflag:s7], $0x10000  }
0xd: {  	s12 =	sadd.s32 $0x84400, s8;
	s28 =	sshll.u32 s11, $0x4;
	[sflag:s7] =	ssyncset.done $0x0  }
0xe: {  	s8 =	sadd.s32 s12, s28;
	[sflag:s7] =	ssyncadd.s32 $0xFFFF0000  }
0xf: {  	[hbm4b:s8+s2] =	stream.linear.scatter [tilespmem:s6], [sflag:$0x2], $0x10000, $0x38;
	[tilespmem:$0x10200] =	vst v63  }
0x10: {  	s11 =	sor.u32 $0x200, s11;
	_ =	swait.ge [sflag:s3], $0x10000  }
0x11: {  	s13 =	sshrl.u32 s11, $0x3;
	[sflag:s3] =	ssyncset.done $0x0  }
0x12: {  	s10 =	ssub.s32 $0x2, s10;
	s9 =	sadd.s32 s9, s13;
	[sflag:s3] =	ssyncadd.s32 $0xFFFF0000  }
0x13: {  	[tilespmem:s2], [sflag:$0x2] =	stream.linear.gather [hbm4b:s9+s2], $0x200, $0x38;
	[tilespmem:$0x10200] =	vst v63  }
0x14: {  	s29 =	sshrl.u32 s10, $0x1;
	_ =	swait.ge [sflag:s3], $0x200  }
0x15: {  	s13 =	ssub.s32 s10, s29;
	[sflag:s3] =	ssyncset.done $0x0  }
0x16: {  	s31 =	smax.u32 s13, $0x1;
	[sflag:s3] =	ssyncadd.s32 $0xFFFFFE00  }
0x17: {  	[tilespmem:s6], [sflag:$0x1] =	stream.indirect.gather [hbm4b:s5+s6], $0x80, s2, s6, $0xb8;
	[tilespmem:$0x10200] =	vst v63  }
0x18: {  	p0 =	sne.s32 s31, $0x1;
	_ =	swait.ge [sflag:s7], $0x10000  }
.Ltmp0:
0x19: {  	s30 =	sshll.u32 s11, $0x4;
	[sflag:s7] =	ssyncset.done $0x0;
	(pc) =	sbr.rel @!p0 .LBB2_2-.Ltmp0, $4  }
0x1a: {  	s10 =	sadd.s32 s12, s30;
	[sflag:s7] =	ssyncadd.s32 $0xFFFF0000  }
0x1b: {  	[hbm4b:s10+s2] =	stream.linear.scatter [tilespmem:s6], [sflag:$0x2], $0x10000, $0x38;
	[tilespmem:$0x10200] =	vst v63  }
0x1c: {  	_ =	swait.ge [sflag:s3], $0x10000  }
0x1d: {  	s11 =	sadd.s32 $0xFFFFFFFF, s31;
	[sflag:s3] =	ssyncset.done $0x0  }
.LBB2_1:
0x1e: {  	p0 =	sne.s32 s11, $0x1;
	s11 =	sadd.s32 $0xFFFFFFFF, s11;
	[sflag:s3] =	ssyncadd.s32 $0xFFFF0000  }
0x1f: {  	[tilespmem:s2], [sflag:$0x2] =	stream.linear.gather [hbm4b:s4+s2], $0x200, $0x38;
	[tilespmem:$0x10200] =	vst v63  }
0x20: {  	_ =	swait.ge [sflag:s3], $0x200  }
0x21: {  	[sflag:s3] =	ssyncset.done $0x0  }
0x22: {  	[sflag:s3] =	ssyncadd.s32 $0xFFFFFE00  }
0x23: {  	[tilespmem:s6], [sflag:$0x1] =	stream.indirect.gather [hbm4b:s5+s6], $0x80, s2, s6, $0xb8;
	[tilespmem:$0x10200] =	vst v63  }
0x24: {  	_ =	swait.ge [sflag:s7], $0x10000  }
0x25: {  	[sflag:s7] =	ssyncset.done $0x0  }
0x26: {  	[sflag:s7] =	ssyncadd.s32 $0xFFFF0000  }
0x27: {  	[hbm4b:s8+s2] =	stream.linear.scatter [tilespmem:s6], [sflag:$0x2], $0x10000, $0x38;
	[tilespmem:$0x10200] =	vst v63  }
0x28: {  	_ =	swait.ge [sflag:s3], $0x10000  }
0x29: {  	[sflag:s3] =	ssyncset.done $0x0  }
0x2a: {  	[sflag:s3] =	ssyncadd.s32 $0xFFFF0000  }
0x2b: {  	[tilespmem:s2], [sflag:$0x2] =	stream.linear.gather [hbm4b:s9+s2], $0x200, $0x38;
	[tilespmem:$0x10200] =	vst v63  }
0x2c: {  	_ =	swait.ge [sflag:s3], $0x200  }
0x2d: {  	[sflag:s3] =	ssyncset.done $0x0  }
0x2e: {  	[sflag:s3] =	ssyncadd.s32 $0xFFFFFE00  }
0x2f: {  	[tilespmem:s6], [sflag:$0x1] =	stream.indirect.gather [hbm4b:s5+s6], $0x80, s2, s6, $0xb8;
	[tilespmem:$0x10200] =	vst v63  }
0x30: {  	_ =	swait.ge [sflag:s7], $0x10000  }
.Ltmp1:
0x31: {  	[sflag:s7] =	ssyncset.done $0x0;
	(pc) =	sbr.rel @p0 .LBB2_1-.Ltmp1, $4  }
0x32: {  	[sflag:s7] =	ssyncadd.s32 $0xFFFF0000  }
0x33: {  	[hbm4b:s10+s2] =	stream.linear.scatter [tilespmem:s6], [sflag:$0x2], $0x10000, $0x38;
	[tilespmem:$0x10200] =	vst v63  }
0x34: {  	_ =	swait.ge [sflag:s3], $0x10000  }
0x35: {  	[sflag:s3] =	ssyncset.done $0x0  }
.LBB2_2:
0x36: {  	[sflag:s3] =	ssyncadd.s32 $0xFFFF0000  }
0x37: {  	_ =	sfence.sel $0x180000  }
0x38: {  	[bflag:$0x0] =	sbarrier.arrive $0xFFFF  }
0x39: {  	p0 =	sne.s32 s0, $0x0;
	_ =	strace $0x90000047  }
0x3a: {  	s0 =	sadd.s32 @!p0 $0x100000, s1;
	[bflag:$0x2] =	sbarrier.arrive $0xFFFF  }
0x3b: {  	[sflag:s0] =	ssyncadd.tile.s32 @!p0 $0x1;
	_ =	shalt  }
.Lfunc_end2:
_tile_overlayer_lowered:
.L_overlay_start_2:
0x3c: {  	(tag) =	ssettag $0x2  }
0x3d: {  	s0 =	rddreg [dreg:$0x0];
	s2 =	stileid.u32  }
0x3e: {  	s1 =	rddreg [dreg:$0x1];
	p0 =	sne.s32 s2, $0x0  }
0x3f: {  	s3 =	rddreg [dreg:$0x2];
	[bflag:$0x3] =	sbarrier.arrive $0xFFFF;
	s2 =	simm.s32 @!p0 $0x1C02  }
0x40: {  	[timem:s3], [sflag:s2] =	dma.local @!p0 [hbm:s0], s1  }
0x41: {  	s0 =	simm.s32 @!p0 $0x2  }
0x42: {  	_ =	swait.ge @!p0 [sflag:s0], s1  }
0x43: {  	s1 =	ssub.s32 @!p0 $0x0, s1;
	[sflag:s0] =	ssyncset.done @!p0 $0x0  }
0x44: {  	[sflag:s0] =	ssyncadd.s32 @!p0 s1  }
0x45: {  	[bflag:$0x3] =	sbarrier.arrive $0xFFFF  }
0x46: {  	_ =	shalt  }

</sc_bundles>
